<compile_context>
chip_gen: v7x
topology: tpu7x:2x2x1
jax: 0.10.2.dev20260603
libtpu: 0.0.44.dev20260713+nightly
codegen_flags: <defaults>
</compile_context>

<pallas_src>
import functools

import jax
import jax.numpy as jnp
from jax import lax
from jax.experimental import pallas as pl
from jax.experimental.pallas import tpu as pltpu
from jax.experimental.pallas import tpu_sc as plsc

_N = 10000
_E = 320000
_RPT = 640
_NPAD = 10240
_CHUNK = 128
_CHD = 80
_CHF = 160
_EPAD = 32 * _CHD * _CHUNK

_mesh = plsc.VectorSubcoreMesh(core_axis_name="c", subcore_axis_name="s")
_sc_params = pltpu.CompilerParams(use_tc_tiling_on_sc=False)


def _deg_body(cols_hbm, zeros_hbm, out_hbm, colv, onesv, acc):
    cid = lax.axis_index("c")
    sid = lax.axis_index("s")
    wid = sid * 2 + cid
    sl = pl.ds(sid * _RPT, _RPT)
    pltpu.sync_copy(zeros_hbm.at[sl], acc.at[sl])
    pltpu.sync_copy(cols_hbm.at[wid], colv)
    for k in range(_CHUNK // 16):
        onesv[pl.ds(k * 16, 16)] = jnp.full((16,), 1.0, jnp.float32)
    plsc.subcore_barrier()

    def body(j, carry):
        pltpu.sync_copy(onesv, acc.at[colv.at[j]], add=True)
        return carry

    lax.fori_loop(0, _CHD, body, 0)
    plsc.subcore_barrier()
    pltpu.sync_copy(acc.at[sl], out_hbm.at[cid, sl])


_deg_kernel = functools.partial(
    pl.kernel,
    out_type=jax.ShapeDtypeStruct((2, _NPAD), jnp.float32),
    mesh=_mesh,
    compiler_params=_sc_params,
    scratch_types=[
        pltpu.VMEM((_CHD, _CHUNK), jnp.int32),
        pltpu.VMEM((_CHUNK,), jnp.float32),
        pltpu.VMEM_SHARED((_NPAD,), jnp.float32),
    ],
)(_deg_body)


def _edge_loop(table_hbm, rowv, colv, bufa, bufb, sema, semb, acc):
    pltpu.async_copy(table_hbm.at[rowv.at[0]], bufa, sema)

    def body(i, carry):
        j = 2 * i
        pltpu.make_async_copy(table_hbm.at[rowv.at[j]], bufa, sema).wait()
        pltpu.async_copy(table_hbm.at[rowv.at[j + 1]], bufb, semb)
        pltpu.sync_copy(bufa, acc.at[colv.at[j]], add=True)
        pltpu.make_async_copy(table_hbm.at[rowv.at[j + 1]], bufb, semb).wait()
        pltpu.async_copy(table_hbm.at[rowv.at[j + 2]], bufa, sema)
        pltpu.sync_copy(bufb, acc.at[colv.at[j + 1]], add=True)
        return carry

    lax.fori_loop(0, _CHF // 2, body, 0)
    pltpu.make_async_copy(table_hbm.at[rowv.at[_CHF]], bufa, sema).wait()


def _fused_body(y_hbm, rows_hbm, cols_hbm, zeros_hbm, dis_hbm, b1_hbm,
                z_hbm, out_hbm,
                rowv, colv, bufa, bufb, sema, semb,
                accv, y1v, zv, b1v, diss, acc1, acc2):
    cid = lax.axis_index("c")
    sid = lax.axis_index("s")
    sl = pl.ds(sid * _RPT, _RPT)
    pltpu.sync_copy(zeros_hbm.at[sl], acc1.at[sl])
    pltpu.sync_copy(zeros_hbm.at[sl], acc2.at[sl])
    pltpu.sync_copy(rows_hbm.at[sid], rowv)
    pltpu.sync_copy(cols_hbm.at[sid], colv)
    pltpu.sync_copy(dis_hbm.at[sl], diss)
    pltpu.sync_copy(b1_hbm.at[cid], b1v)
    plsc.subcore_barrier()

    _edge_loop(y_hbm.at[cid], rowv, colv, bufa, bufb, sema, semb, acc1)
    plsc.subcore_barrier()

    pltpu.sync_copy(acc1.at[sl], accv)
    pltpu.sync_copy(y_hbm.at[cid, sl], y1v)
    b1r = b1v[...]
    zero = jnp.zeros((32,), jnp.bfloat16)

    def mid(r, carry):
        d = diss[r]
        zv[r] = d * jnp.maximum(d * (accv[r] + y1v[r]) + b1r, zero)
        return carry

    lax.fori_loop(0, _RPT, mid, 0)
    pltpu.sync_copy(zv, z_hbm.at[cid, sl])
    plsc.subcore_barrier()

    _edge_loop(z_hbm.at[cid], rowv, colv, bufa, bufb, sema, semb, acc2)
    plsc.subcore_barrier()
    pltpu.sync_copy(acc2.at[sl], out_hbm.at[cid, sl])


_fused_kernel = functools.partial(
    pl.kernel,
    out_type=[
        jax.ShapeDtypeStruct((2, _NPAD, 32), jnp.bfloat16),
        jax.ShapeDtypeStruct((2, _NPAD, 32), jnp.bfloat16),
    ],
    mesh=_mesh,
    compiler_params=_sc_params,
    scratch_types=[
        pltpu.VMEM((_CHF + 1, _CHUNK), jnp.int32),
        pltpu.VMEM((_CHF, _CHUNK), jnp.int32),
        pltpu.VMEM((_CHUNK, 32), jnp.bfloat16),
        pltpu.VMEM((_CHUNK, 32), jnp.bfloat16),
        pltpu.SemaphoreType.DMA,
        pltpu.SemaphoreType.DMA,
        pltpu.VMEM((_RPT, 32), jnp.bfloat16),
        pltpu.VMEM((_RPT, 32), jnp.bfloat16),
        pltpu.VMEM((_RPT, 32), jnp.bfloat16),
        pltpu.VMEM((32,), jnp.bfloat16),
        pltpu.VMEM((_RPT, 32), jnp.bfloat16),
        pltpu.VMEM_SHARED((_NPAD, 32), jnp.bfloat16),
        pltpu.VMEM_SHARED((_NPAD, 32), jnp.bfloat16),
    ],
)(_fused_body)

_BLKM = 2048
_GM = _NPAD // _BLKM


def _mma_body(x_ref, w_ref, xw_ref):
    xw_ref[...] = jnp.dot(x_ref[...], w_ref[...],
                          preferred_element_type=jnp.float32)


_mma = pl.pallas_call(
    _mma_body,
    grid=(_GM,),
    in_specs=[
        pl.BlockSpec((_BLKM, 128), lambda i: (i, 0)),
        pl.BlockSpec((128, 64), lambda i: (0, 0)),
    ],
    out_specs=pl.BlockSpec((_BLKM, 64), lambda i: (i, 0)),
    out_shape=jax.ShapeDtypeStruct((_NPAD, 64), jnp.float32),
)


def _mmb_body(xw_ref, d0_ref, d1_ref, ya_ref, yb_ref, dis_ref):
    dis = lax.rsqrt(d0_ref[...] + d1_ref[...] + 1.0)
    y = dis * xw_ref[...]
    ya_ref[...] = y[:, :32].astype(jnp.bfloat16)
    yb_ref[...] = y[:, 32:].astype(jnp.bfloat16)
    dis_ref[...] = jnp.broadcast_to(dis.astype(jnp.bfloat16),
                                    (dis.shape[0], 32))


_mmb = pl.pallas_call(
    _mmb_body,
    grid=(_GM,),
    in_specs=[
        pl.BlockSpec((_BLKM, 64), lambda i: (i, 0)),
        pl.BlockSpec((_BLKM, 1), lambda i: (i, 0)),
        pl.BlockSpec((_BLKM, 1), lambda i: (i, 0)),
    ],
    out_specs=[
        pl.BlockSpec((_BLKM, 32), lambda i: (i, 0)),
        pl.BlockSpec((_BLKM, 32), lambda i: (i, 0)),
        pl.BlockSpec((_BLKM, 32), lambda i: (i, 0)),
    ],
    out_shape=[
        jax.ShapeDtypeStruct((_NPAD, 32), jnp.bfloat16),
        jax.ShapeDtypeStruct((_NPAD, 32), jnp.bfloat16),
        jax.ShapeDtypeStruct((_NPAD, 32), jnp.bfloat16),
    ],
)

_BLK = 2000
_G = _N // _BLK


def _fin_body(a0_ref, a1_ref, z0_ref, z1_ref, d0_ref, d1_ref, b2_ref,
              w2_ref, o_ref):
    dis = lax.rsqrt(d0_ref[...] + d1_ref[...] + 1.0)
    f32 = jnp.float32
    agg = jnp.concatenate(
        [a0_ref[...].astype(f32) + z0_ref[...].astype(f32),
         a1_ref[...].astype(f32) + z1_ref[...].astype(f32)], axis=1)
    o_ref[...] = dis * jnp.dot(agg, w2_ref[...],
                               preferred_element_type=f32) + b2_ref[...]


_fin = pl.pallas_call(
    _fin_body,
    grid=(_G,),
    in_specs=[
        pl.BlockSpec((_BLK, 32), lambda i: (i, 0)),
        pl.BlockSpec((_BLK, 32), lambda i: (i, 0)),
        pl.BlockSpec((_BLK, 32), lambda i: (i, 0)),
        pl.BlockSpec((_BLK, 32), lambda i: (i, 0)),
        pl.BlockSpec((_BLK, 1), lambda i: (i, 0)),
        pl.BlockSpec((_BLK, 1), lambda i: (i, 0)),
        pl.BlockSpec((1, 128), lambda i: (0, 0)),
        pl.BlockSpec((64, 128), lambda i: (0, 0)),
    ],
    out_specs=pl.BlockSpec((_BLK, 128), lambda i: (i, 0)),
    out_shape=jax.ShapeDtypeStruct((_N, 128), jnp.float32),
)


def kernel(x, edge_index, W1, b1, W2, b2):
    row = edge_index[0].astype(jnp.int32)
    col = edge_index[1].astype(jnp.int32)
    pad = _EPAD - _E
    rowp = jnp.concatenate([row, jnp.zeros((pad,), jnp.int32)])
    colp = jnp.concatenate([col, jnp.full((pad,), _N, jnp.int32)])
    colp32 = colp.reshape(32, _CHD, _CHUNK)
    rowp16 = rowp.reshape(16, _CHF, _CHUNK)
    colp16 = colp.reshape(16, _CHF, _CHUNK)
    rows_g = jnp.concatenate(
        [rowp16, jnp.zeros((16, 1, _CHUNK), jnp.int32)], axis=1)
    zeros1 = jnp.zeros((_NPAD,), jnp.float32)
    zeros32 = jnp.zeros((_NPAD, 32), jnp.bfloat16)
    x_pad = jnp.pad(x, ((0, _NPAD - _N), (0, 0)))
    b1h = b1.astype(jnp.bfloat16).reshape(2, 32)

    deg = _deg_kernel(colp32, zeros1)
    d0 = deg[0][:, None]
    d1 = deg[1][:, None]

    xw = _mma(x_pad.astype(jnp.bfloat16),
              W1.astype(jnp.bfloat16))
    ya, yb, dis16 = _mmb(xw, d0, d1)
    ystk = jnp.stack([ya, yb])
    z, a2 = _fused_kernel(ystk, rows_g, colp16, zeros32, dis16, b1h)
    out = _fin(a2[0, :_N], a2[1, :_N], z[0, :_N], z[1, :_N],
               d0[:_N], d1[:_N], b2[None, :], W2)
    return out

# --- scband reference (transcript-rebuilt; emitter-appended) ---
"""Pipeline reference for scband-gcn-68143951118527 (READ-ONLY COPY).

The authoritative reference and input builder live on the scoring server;
editing this copy changes nothing except your own understanding.
"""

import jax, jax.numpy as jnp
import numpy as np

N = 10000
E = 320000
D_IN = 128
HID = 64
D_OUT = 128


def gcn_conv(x, edge_index, W, b):
    n = x.shape[0]
    xw = x @ W
    loops = jnp.arange(n, dtype=edge_index.dtype)
    row = jnp.concatenate([edge_index[0], loops])
    col = jnp.concatenate([edge_index[1], loops])
    deg = jnp.zeros((n,), xw.dtype).at[col].add(1.0)
    deg_inv_sqrt = jnp.where(deg > 0, deg ** -0.5, 0.0)
    norm = deg_inv_sqrt[row] * deg_inv_sqrt[col]
    msg = xw[row] * norm[:, None]
    out = jnp.zeros((n, xw.shape[1]), xw.dtype).at[col].add(msg)
    return out + b


def setup_inputs(seed: int = 0) -> dict:
    key = jax.random.key(seed)
    k1, k2, k3, k4 = jax.random.split(key, 4)
    x = jax.random.normal(k1, (N, D_IN), dtype=jnp.float32)
    edge_index = jax.random.randint(k2, (2, E), 0, N)
    W1 = jax.random.normal(k3, (D_IN, HID), dtype=jnp.float32) * (1.0 / np.sqrt(D_IN))
    b1 = jnp.zeros((HID,), dtype=jnp.float32)
    W2 = jax.random.normal(k4, (HID, D_OUT), dtype=jnp.float32) * (1.0 / np.sqrt(HID))
    b2 = jnp.zeros((D_OUT,), dtype=jnp.float32)
    return {"x": x, "edge_index": edge_index, "W1": W1, "b1": b1, "W2": W2, "b2": b2}


def reference(x, edge_index, W1, b1, W2, b2):
    h = jax.nn.relu(gcn_conv(x, edge_index, W1, b1))
    out = gcn_conv(h, edge_index, W2, b2)
    return out

if __name__ == "__main__":
    import jax
    _d = setup_inputs()
    print(jax.jit(kernel)(*tuple(_d.values())))

</pallas_src>

<mosaic_0001>
#map = affine_map<(d0, d1) -> (0, 0, 0)>
#map1 = affine_map<(d0, d1) -> (0)>
#map2 = affine_map<(d0, d1) -> (0, 0)>
module attributes {stable_mosaic.version = 14 : i64} {
  func.func @_deg_body(%arg0: i32, %arg1: i32, %arg2: memref<32x80x128xi32, #tpu.memory_space<hbm>>, %arg3: memref<10240xf32, #tpu.memory_space<hbm>>, %arg4: memref<2x10240xf32, #tpu.memory_space<hbm>>, %arg5: memref<80x128xi32, #tpu.memory_space<vmem>>, %arg6: memref<128xf32, #tpu.memory_space<vmem>>, %arg7: memref<10240xf32, #tpu.memory_space<vmem_shared>>) attributes {dimension_semantics = [#tpu.dimension_semantics<core_parallel>, #tpu.dimension_semantics<subcore_parallel>], iteration_bounds = array<i64: 2, 16>, scalar_prefetch = 0 : i64, scratch_operands = 3 : i64, tpu.core_type = #tpu.core_type<sc_vector_subcore>, window_params = [{transform_indices = #map}, {transform_indices = #map1}, {transform_indices = #map2}]} {
    %mul3A = arith.constant 2 : i32
    %mul3A_0 = arith.muli %arg1, %mul3A : i32
    %add3A = arith.addi %mul3A_0, %arg0 : i32
    %mul3A_1 = arith.constant 640 : i32
    %mul3A_2 = arith.muli %arg1, %mul3A_1 : i32
    "tpu.region"() ({
      %run_scoped3A = tpu.sem_alloc : memref<!tpu.dma_semaphore, #tpu.memory_space<semaphore_mem>>
      %dma_start3A = tpu.memref_slice %arg7[%mul3A_2] : memref<10240xf32, #tpu.memory_space<vmem_shared>> -> memref<640xf32, #tpu.memory_space<vmem_shared>>
      %dma_start3A_55 = tpu.memref_slice %arg3[%mul3A_2] : memref<10240xf32, #tpu.memory_space<hbm>> -> memref<640xf32, #tpu.memory_space<hbm>>
      tpu.enqueue_dma source(%dma_start3A_55 : memref<640xf32, #tpu.memory_space<hbm>>) target(%dma_start3A : memref<640xf32, #tpu.memory_space<vmem_shared>>) target_semaphore(%run_scoped3A : memref<!tpu.dma_semaphore, #tpu.memory_space<semaphore_mem>>)
      %dma_wait3A = tpu.memref_slice %arg7[%mul3A_2] : memref<10240xf32, #tpu.memory_space<vmem_shared>> -> memref<640xf32, #tpu.memory_space<vmem_shared>>
      %dma_wait3A_56 = tpu.memref_slice %arg3[%mul3A_2] : memref<10240xf32, #tpu.memory_space<hbm>> -> memref<640xf32, #tpu.memory_space<hbm>>
      tpu.wait_dma2 semaphore(%run_scoped3A : memref<!tpu.dma_semaphore, #tpu.memory_space<semaphore_mem>>) src(%dma_wait3A_56 : memref<640xf32, #tpu.memory_space<hbm>>) dst(%dma_wait3A : memref<640xf32, #tpu.memory_space<vmem_shared>>)
      tpu.yield
    }) : () -> ()
    "tpu.region"() ({
      %run_scoped3A = tpu.sem_alloc : memref<!tpu.dma_semaphore, #tpu.memory_space<semaphore_mem>>
      %dma_start3A = arith.constant 0 : i32
      %dma_start3A_55 = arith.constant 0 : i32
      %dma_start3A_56 = tpu.memref_slice %arg2[%add3A, %dma_start3A, %dma_start3A_55] : memref<32x80x128xi32, #tpu.memory_space<hbm>> -> memref<1x80x128xi32, #tpu.memory_space<hbm>>
      %dma_start3A_57 = tpu.memref_squeeze %dma_start3A_56 : memref<1x80x128xi32, #tpu.memory_space<hbm>> -> memref<80x128xi32, #tpu.memory_space<hbm>>
      %dma_start3A_58 = arith.constant 0 : i32
      %dma_start3A_59 = arith.constant 0 : i32
      %dma_start3A_60 = tpu.memref_slice %arg2[%add3A, %dma_start3A_58, %dma_start3A_59] : memref<32x80x128xi32, #tpu.memory_space<hbm>> -> memref<1x80x128xi32, #tpu.memory_space<hbm>>
      %dma_start3A_61 = tpu.memref_squeeze %dma_start3A_60 : memref<1x80x128xi32, #tpu.memory_space<hbm>> -> memref<80x128xi32, #tpu.memory_space<hbm>>
      tpu.enqueue_dma source(%dma_start3A_61 : memref<80x128xi32, #tpu.memory_space<hbm>>) target(%arg5 : memref<80x128xi32, #tpu.memory_space<vmem>>) target_semaphore(%run_scoped3A : memref<!tpu.dma_semaphore, #tpu.memory_space<semaphore_mem>>)
      %dma_wait3A = arith.constant 0 : i32
      %dma_wait3A_62 = arith.constant 0 : i32
      %dma_wait3A_63 = tpu.memref_slice %arg2[%add3A, %dma_wait3A, %dma_wait3A_62] : memref<32x80x128xi32, #tpu.memory_space<hbm>> -> memref<1x80x128xi32, #tpu.memory_space<hbm>>
      %dma_wait3A_64 = tpu.memref_squeeze %dma_wait3A_63 : memref<1x80x128xi32, #tpu.memory_space<hbm>> -> memref<80x128xi32, #tpu.memory_space<hbm>>
      %dma_wait3A_65 = arith.constant 0 : i32
      %dma_wait3A_66 = arith.constant 0 : i32
      %dma_wait3A_67 = tpu.memref_slice %arg2[%add3A, %dma_wait3A_65, %dma_wait3A_66] : memref<32x80x128xi32, #tpu.memory_space<hbm>> -> memref<1x80x128xi32, #tpu.memory_space<hbm>>
      %dma_wait3A_68 = tpu.memref_squeeze %dma_wait3A_67 : memref<1x80x128xi32, #tpu.memory_space<hbm>> -> memref<80x128xi32, #tpu.memory_space<hbm>>
      tpu.wait_dma2 semaphore(%run_scoped3A : memref<!tpu.dma_semaphore, #tpu.memory_space<semaphore_mem>>) src(%dma_wait3A_68 : memref<80x128xi32, #tpu.memory_space<hbm>>) dst(%arg5 : memref<80x128xi32, #tpu.memory_space<vmem>>)
      tpu.yield
    }) : () -> ()
    %broadcast_in_dim3A = arith.constant 1.000000e+00 : f32
    %broadcast_in_dim3A_3 = vector.broadcast %broadcast_in_dim3A : f32 to vector<16xf32>
    %swap3A = arith.constant 0 : index
    %swap3A_4 = tpu.vector_load %arg6[%swap3A] {strides = array<i32>} : memref<128xf32, #tpu.memory_space<vmem>>, vector<16xf32>,
    %swap3A_5 = vector.shape_cast %swap3A_4 : vector<16xf32> to vector<16xf32>
    %swap3A_6 = vector.shape_cast %broadcast_in_dim3A_3 : vector<16xf32> to vector<16xf32>
    tpu.vector_store %arg6[%swap3A], %swap3A_6 {strides = array<i32>} : memref<128xf32, #tpu.memory_space<vmem>>, vector<16xf32>,
    %broadcast_in_dim3A_7 = arith.constant 1.000000e+00 : f32
    %broadcast_in_dim3A_8 = vector.broadcast %broadcast_in_dim3A_7 : f32 to vector<16xf32>
    %swap3A_9 = arith.constant 16 : index
    %swap3A_10 = tpu.vector_load %arg6[%swap3A_9] {strides = array<i32>} : memref<128xf32, #tpu.memory_space<vmem>>, vector<16xf32>,
    %swap3A_11 = vector.shape_cast %swap3A_10 : vector<16xf32> to vector<16xf32>
    %swap3A_12 = vector.shape_cast %broadcast_in_dim3A_8 : vector<16xf32> to vector<16xf32>
    tpu.vector_store %arg6[%swap3A_9], %swap3A_12 {strides = array<i32>} : memref<128xf32, #tpu.memory_space<vmem>>, vector<16xf32>,
    %broadcast_in_dim3A_13 = arith.constant 1.000000e+00 : f32
    %broadcast_in_dim3A_14 = vector.broadcast %broadcast_in_dim3A_13 : f32 to vector<16xf32>
    %swap3A_15 = arith.constant 32 : index
    %swap3A_16 = tpu.vector_load %arg6[%swap3A_15] {strides = array<i32>} : memref<128xf32, #tpu.memory_space<vmem>>, vector<16xf32>,
    %swap3A_17 = vector.shape_cast %swap3A_16 : vector<16xf32> to vector<16xf32>
    %swap3A_18 = vector.shape_cast %broadcast_in_dim3A_14 : vector<16xf32> to vector<16xf32>
    tpu.vector_store %arg6[%swap3A_15], %swap3A_18 {strides = array<i32>} : memref<128xf32, #tpu.memory_space<vmem>>, vector<16xf32>,
    %broadcast_in_dim3A_19 = arith.constant 1.000000e+00 : f32
    %broadcast_in_dim3A_20 = vector.broadcast %broadcast_in_dim3A_19 : f32 to vector<16xf32>
    %swap3A_21 = arith.constant 48 : index
    %swap3A_22 = tpu.vector_load %arg6[%swap3A_21] {strides = array<i32>} : memref<128xf32, #tpu.memory_space<vmem>>, vector<16xf32>,
    %swap3A_23 = vector.shape_cast %swap3A_22 : vector<16xf32> to vector<16xf32>
    %swap3A_24 = vector.shape_cast %broadcast_in_dim3A_20 : vector<16xf32> to vector<16xf32>
    tpu.vector_store %arg6[%swap3A_21], %swap3A_24 {strides = array<i32>} : memref<128xf32, #tpu.memory_space<vmem>>, vector<16xf32>,
    %broadcast_in_dim3A_25 = arith.constant 1.000000e+00 : f32
    %broadcast_in_dim3A_26 = vector.broadcast %broadcast_in_dim3A_25 : f32 to vector<16xf32>
    %swap3A_27 = arith.constant 64 : index
    %swap3A_28 = tpu.vector_load %arg6[%swap3A_27] {strides = array<i32>} : memref<128xf32, #tpu.memory_space<vmem>>, vector<16xf32>,
    %swap3A_29 = vector.shape_cast %swap3A_28 : vector<16xf32> to vector<16xf32>
    %swap3A_30 = vector.shape_cast %broadcast_in_dim3A_26 : vector<16xf32> to vector<16xf32>
    tpu.vector_store %arg6[%swap3A_27], %swap3A_30 {strides = array<i32>} : memref<128xf32, #tpu.memory_space<vmem>>, vector<16xf32>,
    %broadcast_in_dim3A_31 = arith.constant 1.000000e+00 : f32
    %broadcast_in_dim3A_32 = vector.broadcast %broadcast_in_dim3A_31 : f32 to vector<16xf32>
    %swap3A_33 = arith.constant 80 : index
    %swap3A_34 = tpu.vector_load %arg6[%swap3A_33] {strides = array<i32>} : memref<128xf32, #tpu.memory_space<vmem>>, vector<16xf32>,
    %swap3A_35 = vector.shape_cast %swap3A_34 : vector<16xf32> to vector<16xf32>
    %swap3A_36 = vector.shape_cast %broadcast_in_dim3A_32 : vector<16xf32> to vector<16xf32>
    tpu.vector_store %arg6[%swap3A_33], %swap3A_36 {strides = array<i32>} : memref<128xf32, #tpu.memory_space<vmem>>, vector<16xf32>,
    %broadcast_in_dim3A_37 = arith.constant 1.000000e+00 : f32
    %broadcast_in_dim3A_38 = vector.broadcast %broadcast_in_dim3A_37 : f32 to vector<16xf32>
    %swap3A_39 = arith.constant 96 : index
    %swap3A_40 = tpu.vector_load %arg6[%swap3A_39] {strides = array<i32>} : memref<128xf32, #tpu.memory_space<vmem>>, vector<16xf32>,
    %swap3A_41 = vector.shape_cast %swap3A_40 : vector<16xf32> to vector<16xf32>
    %swap3A_42 = vector.shape_cast %broadcast_in_dim3A_38 : vector<16xf32> to vector<16xf32>
    tpu.vector_store %arg6[%swap3A_39], %swap3A_42 {strides = array<i32>} : memref<128xf32, #tpu.memory_space<vmem>>, vector<16xf32>,
    %broadcast_in_dim3A_43 = arith.constant 1.000000e+00 : f32
    %broadcast_in_dim3A_44 = vector.broadcast %broadcast_in_dim3A_43 : f32 to vector<16xf32>
    %swap3A_45 = arith.constant 112 : index
    %swap3A_46 = tpu.vector_load %arg6[%swap3A_45] {strides = array<i32>} : memref<128xf32, #tpu.memory_space<vmem>>, vector<16xf32>,
    %swap3A_47 = vector.shape_cast %swap3A_46 : vector<16xf32> to vector<16xf32>
    %swap3A_48 = vector.shape_cast %broadcast_in_dim3A_44 : vector<16xf32> to vector<16xf32>
    tpu.vector_store %arg6[%swap3A_45], %swap3A_48 {strides = array<i32>} : memref<128xf32, #tpu.memory_space<vmem>>, vector<16xf32>,
    %barrier3A = arith.constant 0 : index
    tpu.barrier barrier_id(%barrier3A)
    %scan3A = arith.constant 0 : i32
    %scan3A_49 = arith.constant 0 : i32
    %scan3A_50 = arith.constant 80 : i32
    %scan3A_51 = arith.addi %scan3A_49, %scan3A_50 : i32
    %scan3A_52 = arith.constant 1 : i32
    scf.for %scan3A_55 = %scan3A_49 to %scan3A_51 step %scan3A_52  : i32 {
      "tpu.region"() ({
        %run_scoped3A = tpu.sem_alloc : memref<!tpu.dma_semaphore, #tpu.memory_space<semaphore_mem>>
        %dma_start3A = arith.constant 0 : i32
        %dma_start3A_56 = tpu.memref_slice %arg5[%scan3A_55, %dma_start3A] : memref<80x128xi32, #tpu.memory_space<vmem>> -> memref<1x128xi32, #tpu.memory_space<vmem>>
        %dma_start3A_57 = tpu.memref_squeeze %dma_start3A_56 : memref<1x128xi32, #tpu.memory_space<vmem>> -> memref<128xi32, #tpu.memory_space<vmem>>
        %dma_start3A_58 = arith.constant 0 : i32
        %dma_start3A_59 = tpu.memref_slice %arg7[%dma_start3A_58] : memref<10240xf32, #tpu.memory_space<vmem_shared>> -> memref<10240xf32, #tpu.memory_space<vmem_shared>>
        tpu.enqueue_indirect_dma source(%arg6 : memref<128xf32, #tpu.memory_space<vmem>>) target(%dma_start3A_59 : memref<10240xf32, #tpu.memory_space<vmem_shared>>) offsets(%dma_start3A_57 : memref<128xi32, #tpu.memory_space<vmem>>) semaphore(%run_scoped3A : memref<!tpu.dma_semaphore, #tpu.memory_space<semaphore_mem>>) {add = true}
        %dma_wait3A = arith.constant 0 : i32
        %dma_wait3A_60 = tpu.memref_slice %arg5[%scan3A_55, %dma_wait3A] : memref<80x128xi32, #tpu.memory_space<vmem>> -> memref<1x128xi32, #tpu.memory_space<vmem>>
        %dma_wait3A_61 = tpu.memref_squeeze %dma_wait3A_60 : memref<1x128xi32, #tpu.memory_space<vmem>> -> memref<128xi32, #tpu.memory_space<vmem>>
        %dma_wait3A_62 = arith.constant 0 : i32
        %dma_wait3A_63 = tpu.memref_slice %arg7[%dma_wait3A_62] : memref<10240xf32, #tpu.memory_space<vmem_shared>> -> memref<10240xf32, #tpu.memory_space<vmem_shared>>
        tpu.wait_indirect_dma semaphore(%run_scoped3A : memref<!tpu.dma_semaphore, #tpu.memory_space<semaphore_mem>>) src(%arg6 : memref<128xf32, #tpu.memory_space<vmem>>) dst(%dma_wait3A_63 : memref<10240xf32, #tpu.memory_space<vmem_shared>>)
        tpu.yield
      }) : () -> ()
    }
    %scan3A_53 = arith.constant 80 : i32
    %barrier3A_54 = arith.constant 0 : index
    tpu.barrier barrier_id(%barrier3A_54)
    "tpu.region"() ({
      %run_scoped3A = tpu.sem_alloc : memref<!tpu.dma_semaphore, #tpu.memory_space<semaphore_mem>>
      %dma_start3A = tpu.memref_slice %arg4[%arg0, %mul3A_2] : memref<2x10240xf32, #tpu.memory_space<hbm>> -> memref<1x640xf32, #tpu.memory_space<hbm>>
      %dma_start3A_55 = tpu.memref_squeeze %dma_start3A : memref<1x640xf32, #tpu.memory_space<hbm>> -> memref<640xf32, #tpu.memory_space<hbm>>
      %dma_start3A_56 = tpu.memref_slice %arg7[%mul3A_2] : memref<10240xf32, #tpu.memory_space<vmem_shared>> -> memref<640xf32, #tpu.memory_space<vmem_shared>>
      tpu.enqueue_dma source(%dma_start3A_56 : memref<640xf32, #tpu.memory_space<vmem_shared>>) target(%dma_start3A_55 : memref<640xf32, #tpu.memory_space<hbm>>) target_semaphore(%run_scoped3A : memref<!tpu.dma_semaphore, #tpu.memory_space<semaphore_mem>>)
      %dma_wait3A = tpu.memref_slice %arg4[%arg0, %mul3A_2] : memref<2x10240xf32, #tpu.memory_space<hbm>> -> memref<1x640xf32, #tpu.memory_space<hbm>>
      %dma_wait3A_57 = tpu.memref_squeeze %dma_wait3A : memref<1x640xf32, #tpu.memory_space<hbm>> -> memref<640xf32, #tpu.memory_space<hbm>>
      %dma_wait3A_58 = tpu.memref_slice %arg7[%mul3A_2] : memref<10240xf32, #tpu.memory_space<vmem_shared>> -> memref<640xf32, #tpu.memory_space<vmem_shared>>
      tpu.wait_dma2 semaphore(%run_scoped3A : memref<!tpu.dma_semaphore, #tpu.memory_space<semaphore_mem>>) src(%dma_wait3A_58 : memref<640xf32, #tpu.memory_space<vmem_shared>>) dst(%dma_wait3A_57 : memref<640xf32, #tpu.memory_space<hbm>>)
      tpu.yield
    }) : () -> ()
    return
  }
}

#map = affine_map<(d0, d1) -> (0, 0, 0)>
#map1 = affine_map<(d0, d1) -> (0, 0)>
module attributes {stable_mosaic.version = 14 : i64} {
  func.func @_fused_body(%arg0: i32, %arg1: i32, %arg2: memref<2x10240x32xbf16, #tpu.memory_space<hbm>>, %arg3: memref<16x161x128xi32, #tpu.memory_space<hbm>>, %arg4: memref<16x160x128xi32, #tpu.memory_space<hbm>>, %arg5: memref<10240x32xbf16, #tpu.memory_space<hbm>>, %arg6: memref<10240x32xbf16, #tpu.memory_space<hbm>>, %arg7: memref<2x32xbf16, #tpu.memory_space<hbm>>, %arg8: memref<2x10240x32xbf16, #tpu.memory_space<hbm>>, %arg9: memref<2x10240x32xbf16, #tpu.memory_space<hbm>>, %arg10: memref<161x128xi32, #tpu.memory_space<vmem>>, %arg11: memref<160x128xi32, #tpu.memory_space<vmem>>, %arg12: memref<128x32xbf16, #tpu.memory_space<vmem>>, %arg13: memref<128x32xbf16, #tpu.memory_space<vmem>>, %arg14: memref<!tpu.dma_semaphore, #tpu.memory_space<semaphore_mem>>, %arg15: memref<!tpu.dma_semaphore, #tpu.memory_space<semaphore_mem>>, %arg16: memref<640x32xbf16, #tpu.memory_space<vmem>>, %arg17: memref<640x32xbf16, #tpu.memory_space<vmem>>, %arg18: memref<640x32xbf16, #tpu.memory_space<vmem>>, %arg19: memref<32xbf16, #tpu.memory_space<vmem>>, %arg20: memref<640x32xbf16, #tpu.memory_space<vmem>>, %arg21: memref<10240x32xbf16, #tpu.memory_space<vmem_shared>>, %arg22: memref<10240x32xbf16, #tpu.memory_space<vmem_shared>>) attributes {dimension_semantics = [#tpu.dimension_semantics<core_parallel>, #tpu.dimension_semantics<subcore_parallel>], iteration_bounds = array<i64: 2, 16>, scalar_prefetch = 0 : i64, scratch_operands = 13 : i64, tpu.core_type = #tpu.core_type<sc_vector_subcore>, window_params = [{transform_indices = #map}, {transform_indices = #map}, {transform_indices = #map}, {transform_indices = #map1}, {transform_indices = #map1}, {transform_indices = #map1}, {transform_indices = #map}, {transform_indices = #map}]} {
    %mul3A = arith.constant 640 : i32
    %mul3A_0 = arith.muli %arg1, %mul3A : i32
    "tpu.region"() ({
      %run_scoped3A = tpu.sem_alloc : memref<!tpu.dma_semaphore, #tpu.memory_space<semaphore_mem>>
      %dma_start3A_66 = arith.constant 0 : i32
      %dma_start3A_67 = tpu.memref_slice %arg21[%mul3A_0, %dma_start3A_66] : memref<10240x32xbf16, #tpu.memory_space<vmem_shared>> -> memref<640x32xbf16, #tpu.memory_space<vmem_shared>>
      %dma_start3A_68 = arith.constant 0 : i32
      %dma_start3A_69 = tpu.memref_slice %arg5[%mul3A_0, %dma_start3A_68] : memref<10240x32xbf16, #tpu.memory_space<hbm>> -> memref<640x32xbf16, #tpu.memory_space<hbm>>
      tpu.enqueue_dma source(%dma_start3A_69 : memref<640x32xbf16, #tpu.memory_space<hbm>>) target(%dma_start3A_67 : memref<640x32xbf16, #tpu.memory_space<vmem_shared>>) target_semaphore(%run_scoped3A : memref<!tpu.dma_semaphore, #tpu.memory_space<semaphore_mem>>)
      %dma_wait3A_70 = arith.constant 0 : i32
      %dma_wait3A_71 = tpu.memref_slice %arg21[%mul3A_0, %dma_wait3A_70] : memref<10240x32xbf16, #tpu.memory_space<vmem_shared>> -> memref<640x32xbf16, #tpu.memory_space<vmem_shared>>
      %dma_wait3A_72 = arith.constant 0 : i32
      %dma_wait3A_73 = tpu.memref_slice %arg5[%mul3A_0, %dma_wait3A_72] : memref<10240x32xbf16, #tpu.memory_space<hbm>> -> memref<640x32xbf16, #tpu.memory_space<hbm>>
      tpu.wait_dma2 semaphore(%run_scoped3A : memref<!tpu.dma_semaphore, #tpu.memory_space<semaphore_mem>>) src(%dma_wait3A_73 : memref<640x32xbf16, #tpu.memory_space<hbm>>) dst(%dma_wait3A_71 : memref<640x32xbf16, #tpu.memory_space<vmem_shared>>)
      tpu.yield
    }) : () -> ()
    "tpu.region"() ({
      %run_scoped3A = tpu.sem_alloc : memref<!tpu.dma_semaphore, #tpu.memory_space<semaphore_mem>>
      %dma_start3A_66 = arith.constant 0 : i32
      %dma_start3A_67 = tpu.memref_slice %arg22[%mul3A_0, %dma_start3A_66] : memref<10240x32xbf16, #tpu.memory_space<vmem_shared>> -> memref<640x32xbf16, #tpu.memory_space<vmem_shared>>
      %dma_start3A_68 = arith.constant 0 : i32
      %dma_start3A_69 = tpu.memref_slice %arg5[%mul3A_0, %dma_start3A_68] : memref<10240x32xbf16, #tpu.memory_space<hbm>> -> memref<640x32xbf16, #tpu.memory_space<hbm>>
      tpu.enqueue_dma source(%dma_start3A_69 : memref<640x32xbf16, #tpu.memory_space<hbm>>) target(%dma_start3A_67 : memref<640x32xbf16, #tpu.memory_space<vmem_shared>>) target_semaphore(%run_scoped3A : memref<!tpu.dma_semaphore, #tpu.memory_space<semaphore_mem>>)
      %dma_wait3A_70 = arith.constant 0 : i32
      %dma_wait3A_71 = tpu.memref_slice %arg22[%mul3A_0, %dma_wait3A_70] : memref<10240x32xbf16, #tpu.memory_space<vmem_shared>> -> memref<640x32xbf16, #tpu.memory_space<vmem_shared>>
      %dma_wait3A_72 = arith.constant 0 : i32
      %dma_wait3A_73 = tpu.memref_slice %arg5[%mul3A_0, %dma_wait3A_72] : memref<10240x32xbf16, #tpu.memory_space<hbm>> -> memref<640x32xbf16, #tpu.memory_space<hbm>>
      tpu.wait_dma2 semaphore(%run_scoped3A : memref<!tpu.dma_semaphore, #tpu.memory_space<semaphore_mem>>) src(%dma_wait3A_73 : memref<640x32xbf16, #tpu.memory_space<hbm>>) dst(%dma_wait3A_71 : memref<640x32xbf16, #tpu.memory_space<vmem_shared>>)
      tpu.yield
    }) : () -> ()
    "tpu.region"() ({
      %run_scoped3A = tpu.sem_alloc : memref<!tpu.dma_semaphore, #tpu.memory_space<semaphore_mem>>
      %dma_start3A_66 = arith.constant 0 : i32
      %dma_start3A_67 = arith.constant 0 : i32
      %dma_start3A_68 = tpu.memref_slice %arg3[%arg1, %dma_start3A_66, %dma_start3A_67] : memref<16x161x128xi32, #tpu.memory_space<hbm>> -> memref<1x161x128xi32, #tpu.memory_space<hbm>>
      %dma_start3A_69 = tpu.memref_squeeze %dma_start3A_68 : memref<1x161x128xi32, #tpu.memory_space<hbm>> -> memref<161x128xi32, #tpu.memory_space<hbm>>
      %dma_start3A_70 = arith.constant 0 : i32
      %dma_start3A_71 = arith.constant 0 : i32
      %dma_start3A_72 = tpu.memref_slice %arg3[%arg1, %dma_start3A_70, %dma_start3A_71] : memref<16x161x128xi32, #tpu.memory_space<hbm>> -> memref<1x161x128xi32, #tpu.memory_space<hbm>>
      %dma_start3A_73 = tpu.memref_squeeze %dma_start3A_72 : memref<1x161x128xi32, #tpu.memory_space<hbm>> -> memref<161x128xi32, #tpu.memory_space<hbm>>
      tpu.enqueue_dma source(%dma_start3A_73 : memref<161x128xi32, #tpu.memory_space<hbm>>) target(%arg10 : memref<161x128xi32, #tpu.memory_space<vmem>>) target_semaphore(%run_scoped3A : memref<!tpu.dma_semaphore, #tpu.memory_space<semaphore_mem>>)
      %dma_wait3A_74 = arith.constant 0 : i32
      %dma_wait3A_75 = arith.constant 0 : i32
      %dma_wait3A_76 = tpu.memref_slice %arg3[%arg1, %dma_wait3A_74, %dma_wait3A_75] : memref<16x161x128xi32, #tpu.memory_space<hbm>> -> memref<1x161x128xi32, #tpu.memory_space<hbm>>
      %dma_wait3A_77 = tpu.memref_squeeze %dma_wait3A_76 : memref<1x161x128xi32, #tpu.memory_space<hbm>> -> memref<161x128xi32, #tpu.memory_space<hbm>>
      %dma_wait3A_78 = arith.constant 0 : i32
      %dma_wait3A_79 = arith.constant 0 : i32
      %dma_wait3A_80 = tpu.memref_slice %arg3[%arg1, %dma_wait3A_78, %dma_wait3A_79] : memref<16x161x128xi32, #tpu.memory_space<hbm>> -> memref<1x161x128xi32, #tpu.memory_space<hbm>>
      %dma_wait3A_81 = tpu.memref_squeeze %dma_wait3A_80 : memref<1x161x128xi32, #tpu.memory_space<hbm>> -> memref<161x128xi32, #tpu.memory_space<hbm>>
      tpu.wait_dma2 semaphore(%run_scoped3A : memref<!tpu.dma_semaphore, #tpu.memory_space<semaphore_mem>>) src(%dma_wait3A_81 : memref<161x128xi32, #tpu.memory_space<hbm>>) dst(%arg10 : memref<161x128xi32, #tpu.memory_space<vmem>>)
      tpu.yield
    }) : () -> ()
    "tpu.region"() ({
      %run_scoped3A = tpu.sem_alloc : memref<!tpu.dma_semaphore, #tpu.memory_space<semaphore_mem>>
      %dma_start3A_66 = arith.constant 0 : i32
      %dma_start3A_67 = arith.constant 0 : i32
      %dma_start3A_68 = tpu.memref_slice %arg4[%arg1, %dma_start3A_66, %dma_start3A_67] : memref<16x160x128xi32, #tpu.memory_space<hbm>> -> memref<1x160x128xi32, #tpu.memory_space<hbm>>
      %dma_start3A_69 = tpu.memref_squeeze %dma_start3A_68 : memref<1x160x128xi32, #tpu.memory_space<hbm>> -> memref<160x128xi32, #tpu.memory_space<hbm>>
      %dma_start3A_70 = arith.constant 0 : i32
      %dma_start3A_71 = arith.constant 0 : i32
      %dma_start3A_72 = tpu.memref_slice %arg4[%arg1, %dma_start3A_70, %dma_start3A_71] : memref<16x160x128xi32, #tpu.memory_space<hbm>> -> memref<1x160x128xi32, #tpu.memory_space<hbm>>
      %dma_start3A_73 = tpu.memref_squeeze %dma_start3A_72 : memref<1x160x128xi32, #tpu.memory_space<hbm>> -> memref<160x128xi32, #tpu.memory_space<hbm>>
      tpu.enqueue_dma source(%dma_start3A_73 : memref<160x128xi32, #tpu.memory_space<hbm>>) target(%arg11 : memref<160x128xi32, #tpu.memory_space<vmem>>) target_semaphore(%run_scoped3A : memref<!tpu.dma_semaphore, #tpu.memory_space<semaphore_mem>>)
      %dma_wait3A_74 = arith.constant 0 : i32
      %dma_wait3A_75 = arith.constant 0 : i32
      %dma_wait3A_76 = tpu.memref_slice %arg4[%arg1, %dma_wait3A_74, %dma_wait3A_75] : memref<16x160x128xi32, #tpu.memory_space<hbm>> -> memref<1x160x128xi32, #tpu.memory_space<hbm>>
      %dma_wait3A_77 = tpu.memref_squeeze %dma_wait3A_76 : memref<1x160x128xi32, #tpu.memory_space<hbm>> -> memref<160x128xi32, #tpu.memory_space<hbm>>
      %dma_wait3A_78 = arith.constant 0 : i32
      %dma_wait3A_79 = arith.constant 0 : i32
      %dma_wait3A_80 = tpu.memref_slice %arg4[%arg1, %dma_wait3A_78, %dma_wait3A_79] : memref<16x160x128xi32, #tpu.memory_space<hbm>> -> memref<1x160x128xi32, #tpu.memory_space<hbm>>
      %dma_wait3A_81 = tpu.memref_squeeze %dma_wait3A_80 : memref<1x160x128xi32, #tpu.memory_space<hbm>> -> memref<160x128xi32, #tpu.memory_space<hbm>>
      tpu.wait_dma2 semaphore(%run_scoped3A : memref<!tpu.dma_semaphore, #tpu.memory_space<semaphore_mem>>) src(%dma_wait3A_81 : memref<160x128xi32, #tpu.memory_space<hbm>>) dst(%arg11 : memref<160x128xi32, #tpu.memory_space<vmem>>)
      tpu.yield
    }) : () -> ()
    "tpu.region"() ({
      %run_scoped3A = tpu.sem_alloc : memref<!tpu.dma_semaphore, #tpu.memory_space<semaphore_mem>>
      %dma_start3A_66 = arith.constant 0 : i32
      %dma_start3A_67 = tpu.memref_slice %arg6[%mul3A_0, %dma_start3A_66] : memref<10240x32xbf16, #tpu.memory_space<hbm>> -> memref<640x32xbf16, #tpu.memory_space<hbm>>
      %dma_start3A_68 = arith.constant 0 : i32
      %dma_start3A_69 = tpu.memref_slice %arg6[%mul3A_0, %dma_start3A_68] : memref<10240x32xbf16, #tpu.memory_space<hbm>> -> memref<640x32xbf16, #tpu.memory_space<hbm>>
      tpu.enqueue_dma source(%dma_start3A_69 : memref<640x32xbf16, #tpu.memory_space<hbm>>) target(%arg20 : memref<640x32xbf16, #tpu.memory_space<vmem>>) target_semaphore(%run_scoped3A : memref<!tpu.dma_semaphore, #tpu.memory_space<semaphore_mem>>)
      %dma_wait3A_70 = arith.constant 0 : i32
      %dma_wait3A_71 = tpu.memref_slice %arg6[%mul3A_0, %dma_wait3A_70] : memref<10240x32xbf16, #tpu.memory_space<hbm>> -> memref<640x32xbf16, #tpu.memory_space<hbm>>
      %dma_wait3A_72 = arith.constant 0 : i32
      %dma_wait3A_73 = tpu.memref_slice %arg6[%mul3A_0, %dma_wait3A_72] : memref<10240x32xbf16, #tpu.memory_space<hbm>> -> memref<640x32xbf16, #tpu.memory_space<hbm>>
      tpu.wait_dma2 semaphore(%run_scoped3A : memref<!tpu.dma_semaphore, #tpu.memory_space<semaphore_mem>>) src(%dma_wait3A_73 : memref<640x32xbf16, #tpu.memory_space<hbm>>) dst(%arg20 : memref<640x32xbf16, #tpu.memory_space<vmem>>)
      tpu.yield
    }) : () -> ()
    "tpu.region"() ({
      %run_scoped3A = tpu.sem_alloc : memref<!tpu.dma_semaphore, #tpu.memory_space<semaphore_mem>>
      %dma_start3A_66 = arith.constant 0 : i32
      %dma_start3A_67 = tpu.memref_slice %arg7[%arg0, %dma_start3A_66] : memref<2x32xbf16, #tpu.memory_space<hbm>> -> memref<1x32xbf16, #tpu.memory_space<hbm>>
      %dma_start3A_68 = tpu.memref_squeeze %dma_start3A_67 : memref<1x32xbf16, #tpu.memory_space<hbm>> -> memref<32xbf16, #tpu.memory_space<hbm>>
      %dma_start3A_69 = arith.constant 0 : i32
      %dma_start3A_70 = tpu.memref_slice %arg7[%arg0, %dma_start3A_69] : memref<2x32xbf16, #tpu.memory_space<hbm>> -> memref<1x32xbf16, #tpu.memory_space<hbm>>
      %dma_start3A_71 = tpu.memref_squeeze %dma_start3A_70 : memref<1x32xbf16, #tpu.memory_space<hbm>> -> memref<32xbf16, #tpu.memory_space<hbm>>
      tpu.enqueue_dma source(%dma_start3A_71 : memref<32xbf16, #tpu.memory_space<hbm>>) target(%arg19 : memref<32xbf16, #tpu.memory_space<vmem>>) target_semaphore(%run_scoped3A : memref<!tpu.dma_semaphore, #tpu.memory_space<semaphore_mem>>)
      %dma_wait3A_72 = arith.constant 0 : i32
      %dma_wait3A_73 = tpu.memref_slice %arg7[%arg0, %dma_wait3A_72] : memref<2x32xbf16, #tpu.memory_space<hbm>> -> memref<1x32xbf16, #tpu.memory_space<hbm>>
      %dma_wait3A_74 = tpu.memref_squeeze %dma_wait3A_73 : memref<1x32xbf16, #tpu.memory_space<hbm>> -> memref<32xbf16, #tpu.memory_space<hbm>>
      %dma_wait3A_75 = arith.constant 0 : i32
      %dma_wait3A_76 = tpu.memref_slice %arg7[%arg0, %dma_wait3A_75] : memref<2x32xbf16, #tpu.memory_space<hbm>> -> memref<1x32xbf16, #tpu.memory_space<hbm>>
      %dma_wait3A_77 = tpu.memref_squeeze %dma_wait3A_76 : memref<1x32xbf16, #tpu.memory_space<hbm>> -> memref<32xbf16, #tpu.memory_space<hbm>>
      tpu.wait_dma2 semaphore(%run_scoped3A : memref<!tpu.dma_semaphore, #tpu.memory_space<semaphore_mem>>) src(%dma_wait3A_77 : memref<32xbf16, #tpu.memory_space<hbm>>) dst(%arg19 : memref<32xbf16, #tpu.memory_space<vmem>>)
      tpu.yield
    }) : () -> ()
    %barrier3A = arith.constant 0 : index
    tpu.barrier barrier_id(%barrier3A)
    %dma_start3A = arith.constant 0 : i32
    %dma_start3A_1 = arith.constant 0 : i32
    %dma_start3A_2 = tpu.memref_slice %arg10[%dma_start3A, %dma_start3A_1] : memref<161x128xi32, #tpu.memory_space<vmem>> -> memref<1x128xi32, #tpu.memory_space<vmem>>
    %dma_start3A_3 = tpu.memref_squeeze %dma_start3A_2 : memref<1x128xi32, #tpu.memory_space<vmem>> -> memref<128xi32, #tpu.memory_space<vmem>>
    %dma_start3A_4 = arith.constant 0 : i32
    %dma_start3A_5 = arith.constant 0 : i32
    %dma_start3A_6 = tpu.memref_slice %arg2[%arg0, %dma_start3A_4, %dma_start3A_5] : memref<2x10240x32xbf16, #tpu.memory_space<hbm>> -> memref<1x10240x32xbf16, #tpu.memory_space<hbm>>
    %dma_start3A_7 = tpu.memref_squeeze %dma_start3A_6 : memref<1x10240x32xbf16, #tpu.memory_space<hbm>> -> memref<10240x32xbf16, #tpu.memory_space<hbm>>
    %dma_start3A_8 = arith.constant 0 : i32
    %dma_start3A_9 = arith.constant 0 : i32
    %dma_start3A_10 = tpu.memref_slice %dma_start3A_7[%dma_start3A_8, %dma_start3A_9] : memref<10240x32xbf16, #tpu.memory_space<hbm>> -> memref<10240x32xbf16, #tpu.memory_space<hbm>>
    tpu.enqueue_indirect_dma source(%dma_start3A_10 : memref<10240x32xbf16, #tpu.memory_space<hbm>>) target(%arg12 : memref<128x32xbf16, #tpu.memory_space<vmem>>) offsets(%dma_start3A_3 : memref<128xi32, #tpu.memory_space<vmem>>) semaphore(%arg14 : memref<!tpu.dma_semaphore, #tpu.memory_space<semaphore_mem>>)
    %scan3A = arith.constant 0 : i32
    %scan3A_11 = arith.constant 0 : i32
    %scan3A_12 = arith.constant 80 : i32
    %scan3A_13 = arith.addi %scan3A_11, %scan3A_12 : i32
    %scan3A_14 = arith.constant 1 : i32
    scf.for %scan3A_66 = %scan3A_11 to %scan3A_13 step %scan3A_14  : i32 {
      %mul3A_67 = arith.constant 2 : i32
      %mul3A_68 = arith.muli %mul3A_67, %scan3A_66 : i32
      %dma_wait3A_69 = arith.constant 0 : i32
      %dma_wait3A_70 = tpu.memref_slice %arg10[%mul3A_68, %dma_wait3A_69] : memref<161x128xi32, #tpu.memory_space<vmem>> -> memref<1x128xi32, #tpu.memory_space<vmem>>
      %dma_wait3A_71 = tpu.memref_squeeze %dma_wait3A_70 : memref<1x128xi32, #tpu.memory_space<vmem>> -> memref<128xi32, #tpu.memory_space<vmem>>
      %dma_wait3A_72 = arith.constant 0 : i32
      %dma_wait3A_73 = arith.constant 0 : i32
      %dma_wait3A_74 = tpu.memref_slice %arg2[%arg0, %dma_wait3A_72, %dma_wait3A_73] : memref<2x10240x32xbf16, #tpu.memory_space<hbm>> -> memref<1x10240x32xbf16, #tpu.memory_space<hbm>>
      %dma_wait3A_75 = tpu.memref_squeeze %dma_wait3A_74 : memref<1x10240x32xbf16, #tpu.memory_space<hbm>> -> memref<10240x32xbf16, #tpu.memory_space<hbm>>
      %dma_wait3A_76 = arith.constant 0 : i32
      %dma_wait3A_77 = arith.constant 0 : i32
      %dma_wait3A_78 = tpu.memref_slice %dma_wait3A_75[%dma_wait3A_76, %dma_wait3A_77] : memref<10240x32xbf16, #tpu.memory_space<hbm>> -> memref<10240x32xbf16, #tpu.memory_space<hbm>>
      tpu.wait_indirect_dma semaphore(%arg14 : memref<!tpu.dma_semaphore, #tpu.memory_space<semaphore_mem>>) src(%dma_wait3A_78 : memref<10240x32xbf16, #tpu.memory_space<hbm>>) dst(%arg12 : memref<128x32xbf16, #tpu.memory_space<vmem>>)
      %add3A = arith.constant 1 : i32
      %add3A_79 = arith.addi %mul3A_68, %add3A : i32
      %dma_start3A_80 = arith.constant 0 : i32
      %dma_start3A_81 = tpu.memref_slice %arg10[%add3A_79, %dma_start3A_80] : memref<161x128xi32, #tpu.memory_space<vmem>> -> memref<1x128xi32, #tpu.memory_space<vmem>>
      %dma_start3A_82 = tpu.memref_squeeze %dma_start3A_81 : memref<1x128xi32, #tpu.memory_space<vmem>> -> memref<128xi32, #tpu.memory_space<vmem>>
      %dma_start3A_83 = arith.constant 0 : i32
      %dma_start3A_84 = arith.constant 0 : i32
      %dma_start3A_85 = tpu.memref_slice %arg2[%arg0, %dma_start3A_83, %dma_start3A_84] : memref<2x10240x32xbf16, #tpu.memory_space<hbm>> -> memref<1x10240x32xbf16, #tpu.memory_space<hbm>>
      %dma_start3A_86 = tpu.memref_squeeze %dma_start3A_85 : memref<1x10240x32xbf16, #tpu.memory_space<hbm>> -> memref<10240x32xbf16, #tpu.memory_space<hbm>>
      %dma_start3A_87 = arith.constant 0 : i32
      %dma_start3A_88 = arith.constant 0 : i32
      %dma_start3A_89 = tpu.memref_slice %dma_start3A_86[%dma_start3A_87, %dma_start3A_88] : memref<10240x32xbf16, #tpu.memory_space<hbm>> -> memref<10240x32xbf16, #tpu.memory_space<hbm>>
      tpu.enqueue_indirect_dma source(%dma_start3A_89 : memref<10240x32xbf16, #tpu.memory_space<hbm>>) target(%arg13 : memref<128x32xbf16, #tpu.memory_space<vmem>>) offsets(%dma_start3A_82 : memref<128xi32, #tpu.memory_space<vmem>>) semaphore(%arg15 : memref<!tpu.dma_semaphore, #tpu.memory_space<semaphore_mem>>)
      "tpu.region"() ({
        %run_scoped3A = tpu.sem_alloc : memref<!tpu.dma_semaphore, #tpu.memory_space<semaphore_mem>>
        %dma_start3A_116 = arith.constant 0 : i32
        %dma_start3A_117 = tpu.memref_slice %arg11[%mul3A_68, %dma_start3A_116] : memref<160x128xi32, #tpu.memory_space<vmem>> -> memref<1x128xi32, #tpu.memory_space<vmem>>
        %dma_start3A_118 = tpu.memref_squeeze %dma_start3A_117 : memref<1x128xi32, #tpu.memory_space<vmem>> -> memref<128xi32, #tpu.memory_space<vmem>>
        %dma_start3A_119 = arith.constant 0 : i32
        %dma_start3A_120 = arith.constant 0 : i32
        %dma_start3A_121 = tpu.memref_slice %arg21[%dma_start3A_119, %dma_start3A_120] : memref<10240x32xbf16, #tpu.memory_space<vmem_shared>> -> memref<10240x32xbf16, #tpu.memory_space<vmem_shared>>
        tpu.enqueue_indirect_dma source(%arg12 : memref<128x32xbf16, #tpu.memory_space<vmem>>) target(%dma_start3A_121 : memref<10240x32xbf16, #tpu.memory_space<vmem_shared>>) offsets(%dma_start3A_118 : memref<128xi32, #tpu.memory_space<vmem>>) semaphore(%run_scoped3A : memref<!tpu.dma_semaphore, #tpu.memory_space<semaphore_mem>>) {add = true}
        %dma_wait3A_122 = arith.constant 0 : i32
        %dma_wait3A_123 = tpu.memref_slice %arg11[%mul3A_68, %dma_wait3A_122] : memref<160x128xi32, #tpu.memory_space<vmem>> -> memref<1x128xi32, #tpu.memory_space<vmem>>
        %dma_wait3A_124 = tpu.memref_squeeze %dma_wait3A_123 : memref<1x128xi32, #tpu.memory_space<vmem>> -> memref<128xi32, #tpu.memory_space<vmem>>
        %dma_wait3A_125 = arith.constant 0 : i32
        %dma_wait3A_126 = arith.constant 0 : i32
        %dma_wait3A_127 = tpu.memref_slice %arg21[%dma_wait3A_125, %dma_wait3A_126] : memref<10240x32xbf16, #tpu.memory_space<vmem_shared>> -> memref<10240x32xbf16, #tpu.memory_space<vmem_shared>>
        tpu.wait_indirect_dma semaphore(%run_scoped3A : memref<!tpu.dma_semaphore, #tpu.memory_space<semaphore_mem>>) src(%arg12 : memref<128x32xbf16, #tpu.memory_space<vmem>>) dst(%dma_wait3A_127 : memref<10240x32xbf16, #tpu.memory_space<vmem_shared>>)
        tpu.yield
      }) : () -> ()
      %add3A_90 = arith.constant 1 : i32
      %add3A_91 = arith.addi %mul3A_68, %add3A_90 : i32
      %dma_wait3A_92 = arith.constant 0 : i32
      %dma_wait3A_93 = tpu.memref_slice %arg10[%add3A_91, %dma_wait3A_92] : memref<161x128xi32, #tpu.memory_space<vmem>> -> memref<1x128xi32, #tpu.memory_space<vmem>>
      %dma_wait3A_94 = tpu.memref_squeeze %dma_wait3A_93 : memref<1x128xi32, #tpu.memory_space<vmem>> -> memref<128xi32, #tpu.memory_space<vmem>>
      %dma_wait3A_95 = arith.constant 0 : i32
      %dma_wait3A_96 = arith.constant 0 : i32
      %dma_wait3A_97 = tpu.memref_slice %arg2[%arg0, %dma_wait3A_95, %dma_wait3A_96] : memref<2x10240x32xbf16, #tpu.memory_space<hbm>> -> memref<1x10240x32xbf16, #tpu.memory_space<hbm>>
      %dma_wait3A_98 = tpu.memref_squeeze %dma_wait3A_97 : memref<1x10240x32xbf16, #tpu.memory_space<hbm>> -> memref<10240x32xbf16, #tpu.memory_space<hbm>>
      %dma_wait3A_99 = arith.constant 0 : i32
      %dma_wait3A_100 = arith.constant 0 : i32
      %dma_wait3A_101 = tpu.memref_slice %dma_wait3A_98[%dma_wait3A_99, %dma_wait3A_100] : memref<10240x32xbf16, #tpu.memory_space<hbm>> -> memref<10240x32xbf16, #tpu.memory_space<hbm>>
      tpu.wait_indirect_dma semaphore(%arg15 : memref<!tpu.dma_semaphore, #tpu.memory_space<semaphore_mem>>) src(%dma_wait3A_101 : memref<10240x32xbf16, #tpu.memory_space<hbm>>) dst(%arg13 : memref<128x32xbf16, #tpu.memory_space<vmem>>)
      %add3A_102 = arith.constant 2 : i32
      %add3A_103 = arith.addi %mul3A_68, %add3A_102 : i32
      %dma_start3A_104 = arith.constant 0 : i32
      %dma_start3A_105 = tpu.memref_slice %arg10[%add3A_103, %dma_start3A_104] : memref<161x128xi32, #tpu.memory_space<vmem>> -> memref<1x128xi32, #tpu.memory_space<vmem>>
      %dma_start3A_106 = tpu.memref_squeeze %dma_start3A_105 : memref<1x128xi32, #tpu.memory_space<vmem>> -> memref<128xi32, #tpu.memory_space<vmem>>
      %dma_start3A_107 = arith.constant 0 : i32
      %dma_start3A_108 = arith.constant 0 : i32
      %dma_start3A_109 = tpu.memref_slice %arg2[%arg0, %dma_start3A_107, %dma_start3A_108] : memref<2x10240x32xbf16, #tpu.memory_space<hbm>> -> memref<1x10240x32xbf16, #tpu.memory_space<hbm>>
      %dma_start3A_110 = tpu.memref_squeeze %dma_start3A_109 : memref<1x10240x32xbf16, #tpu.memory_space<hbm>> -> memref<10240x32xbf16, #tpu.memory_space<hbm>>
      %dma_start3A_111 = arith.constant 0 : i32
      %dma_start3A_112 = arith.constant 0 : i32
      %dma_start3A_113 = tpu.memref_slice %dma_start3A_110[%dma_start3A_111, %dma_start3A_112] : memref<10240x32xbf16, #tpu.memory_space<hbm>> -> memref<10240x32xbf16, #tpu.memory_space<hbm>>
      tpu.enqueue_indirect_dma source(%dma_start3A_113 : memref<10240x32xbf16, #tpu.memory_space<hbm>>) target(%arg12 : memref<128x32xbf16, #tpu.memory_space<vmem>>) offsets(%dma_start3A_106 : memref<128xi32, #tpu.memory_space<vmem>>) semaphore(%arg14 : memref<!tpu.dma_semaphore, #tpu.memory_space<semaphore_mem>>)
      %add3A_114 = arith.constant 1 : i32
      %add3A_115 = arith.addi %mul3A_68, %add3A_114 : i32
      "tpu.region"() ({
        %run_scoped3A = tpu.sem_alloc : memref<!tpu.dma_semaphore, #tpu.memory_space<semaphore_mem>>
        %dma_start3A_116 = arith.constant 0 : i32
        %dma_start3A_117 = tpu.memref_slice %arg11[%add3A_115, %dma_start3A_116] : memref<160x128xi32, #tpu.memory_space<vmem>> -> memref<1x128xi32, #tpu.memory_space<vmem>>
        %dma_start3A_118 = tpu.memref_squeeze %dma_start3A_117 : memref<1x128xi32, #tpu.memory_space<vmem>> -> memref<128xi32, #tpu.memory_space<vmem>>
        %dma_start3A_119 = arith.constant 0 : i32
        %dma_start3A_120 = arith.constant 0 : i32
        %dma_start3A_121 = tpu.memref_slice %arg21[%dma_start3A_119, %dma_start3A_120] : memref<10240x32xbf16, #tpu.memory_space<vmem_shared>> -> memref<10240x32xbf16, #tpu.memory_space<vmem_shared>>
        tpu.enqueue_indirect_dma source(%arg13 : memref<128x32xbf16, #tpu.memory_space<vmem>>) target(%dma_start3A_121 : memref<10240x32xbf16, #tpu.memory_space<vmem_shared>>) offsets(%dma_start3A_118 : memref<128xi32, #tpu.memory_space<vmem>>) semaphore(%run_scoped3A : memref<!tpu.dma_semaphore, #tpu.memory_space<semaphore_mem>>) {add = true}
        %dma_wait3A_122 = arith.constant 0 : i32
        %dma_wait3A_123 = tpu.memref_slice %arg11[%add3A_115, %dma_wait3A_122] : memref<160x128xi32, #tpu.memory_space<vmem>> -> memref<1x128xi32, #tpu.memory_space<vmem>>
        %dma_wait3A_124 = tpu.memref_squeeze %dma_wait3A_123 : memref<1x128xi32, #tpu.memory_space<vmem>> -> memref<128xi32, #tpu.memory_space<vmem>>
        %dma_wait3A_125 = arith.constant 0 : i32
        %dma_wait3A_126 = arith.constant 0 : i32
        %dma_wait3A_127 = tpu.memref_slice %arg21[%dma_wait3A_125, %dma_wait3A_126] : memref<10240x32xbf16, #tpu.memory_space<vmem_shared>> -> memref<10240x32xbf16, #tpu.memory_space<vmem_shared>>
        tpu.wait_indirect_dma semaphore(%run_scoped3A : memref<!tpu.dma_semaphore, #tpu.memory_space<semaphore_mem>>) src(%arg13 : memref<128x32xbf16, #tpu.memory_space<vmem>>) dst(%dma_wait3A_127 : memref<10240x32xbf16, #tpu.memory_space<vmem_shared>>)
        tpu.yield
      }) : () -> ()
    }
    %scan3A_15 = arith.constant 80 : i32
    %dma_wait3A = arith.constant 160 : i32
    %dma_wait3A_16 = arith.constant 0 : i32
    %dma_wait3A_17 = tpu.memref_slice %arg10[%dma_wait3A, %dma_wait3A_16] : memref<161x128xi32, #tpu.memory_space<vmem>> -> memref<1x128xi32, #tpu.memory_space<vmem>>
    %dma_wait3A_18 = tpu.memref_squeeze %dma_wait3A_17 : memref<1x128xi32, #tpu.memory_space<vmem>> -> memref<128xi32, #tpu.memory_space<vmem>>
    %dma_wait3A_19 = arith.constant 0 : i32
    %dma_wait3A_20 = arith.constant 0 : i32
    %dma_wait3A_21 = tpu.memref_slice %arg2[%arg0, %dma_wait3A_19, %dma_wait3A_20] : memref<2x10240x32xbf16, #tpu.memory_space<hbm>> -> memref<1x10240x32xbf16, #tpu.memory_space<hbm>>
    %dma_wait3A_22 = tpu.memref_squeeze %dma_wait3A_21 : memref<1x10240x32xbf16, #tpu.memory_space<hbm>> -> memref<10240x32xbf16, #tpu.memory_space<hbm>>
    %dma_wait3A_23 = arith.constant 0 : i32
    %dma_wait3A_24 = arith.constant 0 : i32
    %dma_wait3A_25 = tpu.memref_slice %dma_wait3A_22[%dma_wait3A_23, %dma_wait3A_24] : memref<10240x32xbf16, #tpu.memory_space<hbm>> -> memref<10240x32xbf16, #tpu.memory_space<hbm>>
    tpu.wait_indirect_dma semaphore(%arg14 : memref<!tpu.dma_semaphore, #tpu.memory_space<semaphore_mem>>) src(%dma_wait3A_25 : memref<10240x32xbf16, #tpu.memory_space<hbm>>) dst(%arg12 : memref<128x32xbf16, #tpu.memory_space<vmem>>)
    %barrier3A_26 = arith.constant 0 : index
    tpu.barrier barrier_id(%barrier3A_26)
    "tpu.region"() ({
      %run_scoped3A = tpu.sem_alloc : memref<!tpu.dma_semaphore, #tpu.memory_space<semaphore_mem>>
      %dma_start3A_66 = arith.constant 0 : i32
      %dma_start3A_67 = tpu.memref_slice %arg21[%mul3A_0, %dma_start3A_66] : memref<10240x32xbf16, #tpu.memory_space<vmem_shared>> -> memref<640x32xbf16, #tpu.memory_space<vmem_shared>>
      %dma_start3A_68 = arith.constant 0 : i32
      %dma_start3A_69 = tpu.memref_slice %arg21[%mul3A_0, %dma_start3A_68] : memref<10240x32xbf16, #tpu.memory_space<vmem_shared>> -> memref<640x32xbf16, #tpu.memory_space<vmem_shared>>
      tpu.enqueue_dma source(%dma_start3A_69 : memref<640x32xbf16, #tpu.memory_space<vmem_shared>>) target(%arg16 : memref<640x32xbf16, #tpu.memory_space<vmem>>) target_semaphore(%run_scoped3A : memref<!tpu.dma_semaphore, #tpu.memory_space<semaphore_mem>>)
      %dma_wait3A_70 = arith.constant 0 : i32
      %dma_wait3A_71 = tpu.memref_slice %arg21[%mul3A_0, %dma_wait3A_70] : memref<10240x32xbf16, #tpu.memory_space<vmem_shared>> -> memref<640x32xbf16, #tpu.memory_space<vmem_shared>>
      %dma_wait3A_72 = arith.constant 0 : i32
      %dma_wait3A_73 = tpu.memref_slice %arg21[%mul3A_0, %dma_wait3A_72] : memref<10240x32xbf16, #tpu.memory_space<vmem_shared>> -> memref<640x32xbf16, #tpu.memory_space<vmem_shared>>
      tpu.wait_dma2 semaphore(%run_scoped3A : memref<!tpu.dma_semaphore, #tpu.memory_space<semaphore_mem>>) src(%dma_wait3A_73 : memref<640x32xbf16, #tpu.memory_space<vmem_shared>>) dst(%arg16 : memref<640x32xbf16, #tpu.memory_space<vmem>>)
      tpu.yield
    }) : () -> ()
    "tpu.region"() ({
      %run_scoped3A = tpu.sem_alloc : memref<!tpu.dma_semaphore, #tpu.memory_space<semaphore_mem>>
      %dma_start3A_66 = arith.constant 0 : i32
      %dma_start3A_67 = tpu.memref_slice %arg2[%arg0, %mul3A_0, %dma_start3A_66] : memref<2x10240x32xbf16, #tpu.memory_space<hbm>> -> memref<1x640x32xbf16, #tpu.memory_space<hbm>>
      %dma_start3A_68 = tpu.memref_squeeze %dma_start3A_67 : memref<1x640x32xbf16, #tpu.memory_space<hbm>> -> memref<640x32xbf16, #tpu.memory_space<hbm>>
      %dma_start3A_69 = arith.constant 0 : i32
      %dma_start3A_70 = tpu.memref_slice %arg2[%arg0, %mul3A_0, %dma_start3A_69] : memref<2x10240x32xbf16, #tpu.memory_space<hbm>> -> memref<1x640x32xbf16, #tpu.memory_space<hbm>>
      %dma_start3A_71 = tpu.memref_squeeze %dma_start3A_70 : memref<1x640x32xbf16, #tpu.memory_space<hbm>> -> memref<640x32xbf16, #tpu.memory_space<hbm>>
      tpu.enqueue_dma source(%dma_start3A_71 : memref<640x32xbf16, #tpu.memory_space<hbm>>) target(%arg17 : memref<640x32xbf16, #tpu.memory_space<vmem>>) target_semaphore(%run_scoped3A : memref<!tpu.dma_semaphore, #tpu.memory_space<semaphore_mem>>)
      %dma_wait3A_72 = arith.constant 0 : i32
      %dma_wait3A_73 = tpu.memref_slice %arg2[%arg0, %mul3A_0, %dma_wait3A_72] : memref<2x10240x32xbf16, #tpu.memory_space<hbm>> -> memref<1x640x32xbf16, #tpu.memory_space<hbm>>
      %dma_wait3A_74 = tpu.memref_squeeze %dma_wait3A_73 : memref<1x640x32xbf16, #tpu.memory_space<hbm>> -> memref<640x32xbf16, #tpu.memory_space<hbm>>
      %dma_wait3A_75 = arith.constant 0 : i32
      %dma_wait3A_76 = tpu.memref_slice %arg2[%arg0, %mul3A_0, %dma_wait3A_75] : memref<2x10240x32xbf16, #tpu.memory_space<hbm>> -> memref<1x640x32xbf16, #tpu.memory_space<hbm>>
      %dma_wait3A_77 = tpu.memref_squeeze %dma_wait3A_76 : memref<1x640x32xbf16, #tpu.memory_space<hbm>> -> memref<640x32xbf16, #tpu.memory_space<hbm>>
      tpu.wait_dma2 semaphore(%run_scoped3A : memref<!tpu.dma_semaphore, #tpu.memory_space<semaphore_mem>>) src(%dma_wait3A_77 : memref<640x32xbf16, #tpu.memory_space<hbm>>) dst(%arg17 : memref<640x32xbf16, #tpu.memory_space<vmem>>)
      tpu.yield
    }) : () -> ()
    %get3A = arith.constant 0 : index
    %get3A_27 = tpu.vector_load %arg19[%get3A] {strides = array<i32>} : memref<32xbf16, #tpu.memory_space<vmem>>, vector<32xbf16>,
    %get3A_28 = vector.shape_cast %get3A_27 : vector<32xbf16> to vector<32xbf16>
    %broadcast_in_dim3A = arith.constant 0.000000e+00 : bf16
    %broadcast_in_dim3A_29 = vector.broadcast %broadcast_in_dim3A : bf16 to vector<32xbf16>
    %scan3A_30 = arith.constant 0 : i32
    %scan3A_31 = arith.constant 0 : i32
    %scan3A_32 = arith.constant 640 : i32
    %scan3A_33 = arith.addi %scan3A_31, %scan3A_32 : i32
    %scan3A_34 = arith.constant 1 : i32
    scf.for %scan3A_66 = %scan3A_31 to %scan3A_33 step %scan3A_34  : i32 {
      %get3A_67 = arith.index_cast %scan3A_66 : i32 to index
      %get3A_68 = arith.constant 0 : index
      %get3A_69 = tpu.vector_load %arg20[%get3A_67, %get3A_68] {strides = array<i32>} : memref<640x32xbf16, #tpu.memory_space<vmem>>, vector<1x32xbf16>,
      %get3A_70 = vector.shape_cast %get3A_69 : vector<1x32xbf16> to vector<32xbf16>
      %get3A_71 = arith.index_cast %scan3A_66 : i32 to index
      %get3A_72 = arith.constant 0 : index
      %get3A_73 = tpu.vector_load %arg16[%get3A_71, %get3A_72] {strides = array<i32>} : memref<640x32xbf16, #tpu.memory_space<vmem>>, vector<1x32xbf16>,
      %get3A_74 = vector.shape_cast %get3A_73 : vector<1x32xbf16> to vector<32xbf16>
      %get3A_75 = arith.index_cast %scan3A_66 : i32 to index
      %get3A_76 = arith.constant 0 : index
      %get3A_77 = tpu.vector_load %arg17[%get3A_75, %get3A_76] {strides = array<i32>} : memref<640x32xbf16, #tpu.memory_space<vmem>>, vector<1x32xbf16>,
      %get3A_78 = vector.shape_cast %get3A_77 : vector<1x32xbf16> to vector<32xbf16>
      %add3A = arith.addf %get3A_74, %get3A_78 : vector<32xbf16>
      %mul3A_79 = arith.mulf %get3A_70, %add3A : vector<32xbf16>
      %add3A_80 = arith.addf %mul3A_79, %get3A_28 : vector<32xbf16>
      %max3A = arith.maximumf %add3A_80, %broadcast_in_dim3A_29 : vector<32xbf16>
      %mul3A_81 = arith.mulf %get3A_70, %max3A : vector<32xbf16>
      %swap3A = arith.index_cast %scan3A_66 : i32 to index
      %swap3A_82 = arith.constant 0 : index
      %swap3A_83 = tpu.vector_load %arg18[%swap3A, %swap3A_82] {strides = array<i32>} : memref<640x32xbf16, #tpu.memory_space<vmem>>, vector<1x32xbf16>,
      %swap3A_84 = vector.shape_cast %swap3A_83 : vector<1x32xbf16> to vector<32xbf16>
      %swap3A_85 = vector.shape_cast %mul3A_81 : vector<32xbf16> to vector<1x32xbf16>
      tpu.vector_store %arg18[%swap3A, %swap3A_82], %swap3A_85 {strides = array<i32>} : memref<640x32xbf16, #tpu.memory_space<vmem>>, vector<1x32xbf16>,
    }
    %scan3A_35 = arith.constant 640 : i32
    "tpu.region"() ({
      %run_scoped3A = tpu.sem_alloc : memref<!tpu.dma_semaphore, #tpu.memory_space<semaphore_mem>>
      %dma_start3A_66 = arith.constant 0 : i32
      %dma_start3A_67 = tpu.memref_slice %arg8[%arg0, %mul3A_0, %dma_start3A_66] : memref<2x10240x32xbf16, #tpu.memory_space<hbm>> -> memref<1x640x32xbf16, #tpu.memory_space<hbm>>
      %dma_start3A_68 = tpu.memref_squeeze %dma_start3A_67 : memref<1x640x32xbf16, #tpu.memory_space<hbm>> -> memref<640x32xbf16, #tpu.memory_space<hbm>>
      %dma_start3A_69 = arith.constant 0 : i32
      %dma_start3A_70 = tpu.memref_slice %arg8[%arg0, %mul3A_0, %dma_start3A_69] : memref<2x10240x32xbf16, #tpu.memory_space<hbm>> -> memref<1x640x32xbf16, #tpu.memory_space<hbm>>
      %dma_start3A_71 = tpu.memref_squeeze %dma_start3A_70 : memref<1x640x32xbf16, #tpu.memory_space<hbm>> -> memref<640x32xbf16, #tpu.memory_space<hbm>>
      tpu.enqueue_dma source(%arg18 : memref<640x32xbf16, #tpu.memory_space<vmem>>) target(%dma_start3A_71 : memref<640x32xbf16, #tpu.memory_space<hbm>>) target_semaphore(%run_scoped3A : memref<!tpu.dma_semaphore, #tpu.memory_space<semaphore_mem>>)
      %dma_wait3A_72 = arith.constant 0 : i32
      %dma_wait3A_73 = tpu.memref_slice %arg8[%arg0, %mul3A_0, %dma_wait3A_72] : memref<2x10240x32xbf16, #tpu.memory_space<hbm>> -> memref<1x640x32xbf16, #tpu.memory_space<hbm>>
      %dma_wait3A_74 = tpu.memref_squeeze %dma_wait3A_73 : memref<1x640x32xbf16, #tpu.memory_space<hbm>> -> memref<640x32xbf16, #tpu.memory_space<hbm>>
      %dma_wait3A_75 = arith.constant 0 : i32
      %dma_wait3A_76 = tpu.memref_slice %arg8[%arg0, %mul3A_0, %dma_wait3A_75] : memref<2x10240x32xbf16, #tpu.memory_space<hbm>> -> memref<1x640x32xbf16, #tpu.memory_space<hbm>>
      %dma_wait3A_77 = tpu.memref_squeeze %dma_wait3A_76 : memref<1x640x32xbf16, #tpu.memory_space<hbm>> -> memref<640x32xbf16, #tpu.memory_space<hbm>>
      tpu.wait_dma2 semaphore(%run_scoped3A : memref<!tpu.dma_semaphore, #tpu.memory_space<semaphore_mem>>) src(%arg18 : memref<640x32xbf16, #tpu.memory_space<vmem>>) dst(%dma_wait3A_77 : memref<640x32xbf16, #tpu.memory_space<hbm>>)
      tpu.yield
    }) : () -> ()
    %barrier3A_36 = arith.constant 0 : index
    tpu.barrier barrier_id(%barrier3A_36)
    %dma_start3A_37 = arith.constant 0 : i32
    %dma_start3A_38 = arith.constant 0 : i32
    %dma_start3A_39 = tpu.memref_slice %arg10[%dma_start3A_37, %dma_start3A_38] : memref<161x128xi32, #tpu.memory_space<vmem>> -> memref<1x128xi32, #tpu.memory_space<vmem>>
    %dma_start3A_40 = tpu.memref_squeeze %dma_start3A_39 : memref<1x128xi32, #tpu.memory_space<vmem>> -> memref<128xi32, #tpu.memory_space<vmem>>
    %dma_start3A_41 = arith.constant 0 : i32
    %dma_start3A_42 = arith.constant 0 : i32
    %dma_start3A_43 = tpu.memref_slice %arg8[%arg0, %dma_start3A_41, %dma_start3A_42] : memref<2x10240x32xbf16, #tpu.memory_space<hbm>> -> memref<1x10240x32xbf16, #tpu.memory_space<hbm>>
    %dma_start3A_44 = tpu.memref_squeeze %dma_start3A_43 : memref<1x10240x32xbf16, #tpu.memory_space<hbm>> -> memref<10240x32xbf16, #tpu.memory_space<hbm>>
    %dma_start3A_45 = arith.constant 0 : i32
    %dma_start3A_46 = arith.constant 0 : i32
    %dma_start3A_47 = tpu.memref_slice %dma_start3A_44[%dma_start3A_45, %dma_start3A_46] : memref<10240x32xbf16, #tpu.memory_space<hbm>> -> memref<10240x32xbf16, #tpu.memory_space<hbm>>
    tpu.enqueue_indirect_dma source(%dma_start3A_47 : memref<10240x32xbf16, #tpu.memory_space<hbm>>) target(%arg12 : memref<128x32xbf16, #tpu.memory_space<vmem>>) offsets(%dma_start3A_40 : memref<128xi32, #tpu.memory_space<vmem>>) semaphore(%arg14 : memref<!tpu.dma_semaphore, #tpu.memory_space<semaphore_mem>>)
    %scan3A_48 = arith.constant 0 : i32
    %scan3A_49 = arith.constant 0 : i32
    %scan3A_50 = arith.constant 80 : i32
    %scan3A_51 = arith.addi %scan3A_49, %scan3A_50 : i32
    %scan3A_52 = arith.constant 1 : i32
    scf.for %scan3A_66 = %scan3A_49 to %scan3A_51 step %scan3A_52  : i32 {
      %mul3A_67 = arith.constant 2 : i32
      %mul3A_68 = arith.muli %mul3A_67, %scan3A_66 : i32
      %dma_wait3A_69 = arith.constant 0 : i32
      %dma_wait3A_70 = tpu.memref_slice %arg10[%mul3A_68, %dma_wait3A_69] : memref<161x128xi32, #tpu.memory_space<vmem>> -> memref<1x128xi32, #tpu.memory_space<vmem>>
      %dma_wait3A_71 = tpu.memref_squeeze %dma_wait3A_70 : memref<1x128xi32, #tpu.memory_space<vmem>> -> memref<128xi32, #tpu.memory_space<vmem>>
      %dma_wait3A_72 = arith.constant 0 : i32
      %dma_wait3A_73 = arith.constant 0 : i32
      %dma_wait3A_74 = tpu.memref_slice %arg8[%arg0, %dma_wait3A_72, %dma_wait3A_73] : memref<2x10240x32xbf16, #tpu.memory_space<hbm>> -> memref<1x10240x32xbf16, #tpu.memory_space<hbm>>
      %dma_wait3A_75 = tpu.memref_squeeze %dma_wait3A_74 : memref<1x10240x32xbf16, #tpu.memory_space<hbm>> -> memref<10240x32xbf16, #tpu.memory_space<hbm>>
      %dma_wait3A_76 = arith.constant 0 : i32
      %dma_wait3A_77 = arith.constant 0 : i32
      %dma_wait3A_78 = tpu.memref_slice %dma_wait3A_75[%dma_wait3A_76, %dma_wait3A_77] : memref<10240x32xbf16, #tpu.memory_space<hbm>> -> memref<10240x32xbf16, #tpu.memory_space<hbm>>
      tpu.wait_indirect_dma semaphore(%arg14 : memref<!tpu.dma_semaphore, #tpu.memory_space<semaphore_mem>>) src(%dma_wait3A_78 : memref<10240x32xbf16, #tpu.memory_space<hbm>>) dst(%arg12 : memref<128x32xbf16, #tpu.memory_space<vmem>>)
      %add3A = arith.constant 1 : i32
      %add3A_79 = arith.addi %mul3A_68, %add3A : i32
      %dma_start3A_80 = arith.constant 0 : i32
      %dma_start3A_81 = tpu.memref_slice %arg10[%add3A_79, %dma_start3A_80] : memref<161x128xi32, #tpu.memory_space<vmem>> -> memref<1x128xi32, #tpu.memory_space<vmem>>
      %dma_start3A_82 = tpu.memref_squeeze %dma_start3A_81 : memref<1x128xi32, #tpu.memory_space<vmem>> -> memref<128xi32, #tpu.memory_space<vmem>>
      %dma_start3A_83 = arith.constant 0 : i32
      %dma_start3A_84 = arith.constant 0 : i32
      %dma_start3A_85 = tpu.memref_slice %arg8[%arg0, %dma_start3A_83, %dma_start3A_84] : memref<2x10240x32xbf16, #tpu.memory_space<hbm>> -> memref<1x10240x32xbf16, #tpu.memory_space<hbm>>
      %dma_start3A_86 = tpu.memref_squeeze %dma_start3A_85 : memref<1x10240x32xbf16, #tpu.memory_space<hbm>> -> memref<10240x32xbf16, #tpu.memory_space<hbm>>
      %dma_start3A_87 = arith.constant 0 : i32
      %dma_start3A_88 = arith.constant 0 : i32
      %dma_start3A_89 = tpu.memref_slice %dma_start3A_86[%dma_start3A_87, %dma_start3A_88] : memref<10240x32xbf16, #tpu.memory_space<hbm>> -> memref<10240x32xbf16, #tpu.memory_space<hbm>>
      tpu.enqueue_indirect_dma source(%dma_start3A_89 : memref<10240x32xbf16, #tpu.memory_space<hbm>>) target(%arg13 : memref<128x32xbf16, #tpu.memory_space<vmem>>) offsets(%dma_start3A_82 : memref<128xi32, #tpu.memory_space<vmem>>) semaphore(%arg15 : memref<!tpu.dma_semaphore, #tpu.memory_space<semaphore_mem>>)
      "tpu.region"() ({
        %run_scoped3A = tpu.sem_alloc : memref<!tpu.dma_semaphore, #tpu.memory_space<semaphore_mem>>
        %dma_start3A_116 = arith.constant 0 : i32
        %dma_start3A_117 = tpu.memref_slice %arg11[%mul3A_68, %dma_start3A_116] : memref<160x128xi32, #tpu.memory_space<vmem>> -> memref<1x128xi32, #tpu.memory_space<vmem>>
        %dma_start3A_118 = tpu.memref_squeeze %dma_start3A_117 : memref<1x128xi32, #tpu.memory_space<vmem>> -> memref<128xi32, #tpu.memory_space<vmem>>
        %dma_start3A_119 = arith.constant 0 : i32
        %dma_start3A_120 = arith.constant 0 : i32
        %dma_start3A_121 = tpu.memref_slice %arg22[%dma_start3A_119, %dma_start3A_120] : memref<10240x32xbf16, #tpu.memory_space<vmem_shared>> -> memref<10240x32xbf16, #tpu.memory_space<vmem_shared>>
        tpu.enqueue_indirect_dma source(%arg12 : memref<128x32xbf16, #tpu.memory_space<vmem>>) target(%dma_start3A_121 : memref<10240x32xbf16, #tpu.memory_space<vmem_shared>>) offsets(%dma_start3A_118 : memref<128xi32, #tpu.memory_space<vmem>>) semaphore(%run_scoped3A : memref<!tpu.dma_semaphore, #tpu.memory_space<semaphore_mem>>) {add = true}
        %dma_wait3A_122 = arith.constant 0 : i32
        %dma_wait3A_123 = tpu.memref_slice %arg11[%mul3A_68, %dma_wait3A_122] : memref<160x128xi32, #tpu.memory_space<vmem>> -> memref<1x128xi32, #tpu.memory_space<vmem>>
        %dma_wait3A_124 = tpu.memref_squeeze %dma_wait3A_123 : memref<1x128xi32, #tpu.memory_space<vmem>> -> memref<128xi32, #tpu.memory_space<vmem>>
        %dma_wait3A_125 = arith.constant 0 : i32
        %dma_wait3A_126 = arith.constant 0 : i32
        %dma_wait3A_127 = tpu.memref_slice %arg22[%dma_wait3A_125, %dma_wait3A_126] : memref<10240x32xbf16, #tpu.memory_space<vmem_shared>> -> memref<10240x32xbf16, #tpu.memory_space<vmem_shared>>
        tpu.wait_indirect_dma semaphore(%run_scoped3A : memref<!tpu.dma_semaphore, #tpu.memory_space<semaphore_mem>>) src(%arg12 : memref<128x32xbf16, #tpu.memory_space<vmem>>) dst(%dma_wait3A_127 : memref<10240x32xbf16, #tpu.memory_space<vmem_shared>>)
        tpu.yield
      }) : () -> ()
      %add3A_90 = arith.constant 1 : i32
      %add3A_91 = arith.addi %mul3A_68, %add3A_90 : i32
      %dma_wait3A_92 = arith.constant 0 : i32
      %dma_wait3A_93 = tpu.memref_slice %arg10[%add3A_91, %dma_wait3A_92] : memref<161x128xi32, #tpu.memory_space<vmem>> -> memref<1x128xi32, #tpu.memory_space<vmem>>
      %dma_wait3A_94 = tpu.memref_squeeze %dma_wait3A_93 : memref<1x128xi32, #tpu.memory_space<vmem>> -> memref<128xi32, #tpu.memory_space<vmem>>
      %dma_wait3A_95 = arith.constant 0 : i32
      %dma_wait3A_96 = arith.constant 0 : i32
      %dma_wait3A_97 = tpu.memref_slice %arg8[%arg0, %dma_wait3A_95, %dma_wait3A_96] : memref<2x10240x32xbf16, #tpu.memory_space<hbm>> -> memref<1x10240x32xbf16, #tpu.memory_space<hbm>>
      %dma_wait3A_98 = tpu.memref_squeeze %dma_wait3A_97 : memref<1x10240x32xbf16, #tpu.memory_space<hbm>> -> memref<10240x32xbf16, #tpu.memory_space<hbm>>
      %dma_wait3A_99 = arith.constant 0 : i32
      %dma_wait3A_100 = arith.constant 0 : i32
      %dma_wait3A_101 = tpu.memref_slice %dma_wait3A_98[%dma_wait3A_99, %dma_wait3A_100] : memref<10240x32xbf16, #tpu.memory_space<hbm>> -> memref<10240x32xbf16, #tpu.memory_space<hbm>>
      tpu.wait_indirect_dma semaphore(%arg15 : memref<!tpu.dma_semaphore, #tpu.memory_space<semaphore_mem>>) src(%dma_wait3A_101 : memref<10240x32xbf16, #tpu.memory_space<hbm>>) dst(%arg13 : memref<128x32xbf16, #tpu.memory_space<vmem>>)
      %add3A_102 = arith.constant 2 : i32
      %add3A_103 = arith.addi %mul3A_68, %add3A_102 : i32
      %dma_start3A_104 = arith.constant 0 : i32
      %dma_start3A_105 = tpu.memref_slice %arg10[%add3A_103, %dma_start3A_104] : memref<161x128xi32, #tpu.memory_space<vmem>> -> memref<1x128xi32, #tpu.memory_space<vmem>>
      %dma_start3A_106 = tpu.memref_squeeze %dma_start3A_105 : memref<1x128xi32, #tpu.memory_space<vmem>> -> memref<128xi32, #tpu.memory_space<vmem>>
      %dma_start3A_107 = arith.constant 0 : i32
      %dma_start3A_108 = arith.constant 0 : i32
      %dma_start3A_109 = tpu.memref_slice %arg8[%arg0, %dma_start3A_107, %dma_start3A_108] : memref<2x10240x32xbf16, #tpu.memory_space<hbm>> -> memref<1x10240x32xbf16, #tpu.memory_space<hbm>>
      %dma_start3A_110 = tpu.memref_squeeze %dma_start3A_109 : memref<1x10240x32xbf16, #tpu.memory_space<hbm>> -> memref<10240x32xbf16, #tpu.memory_space<hbm>>
      %dma_start3A_111 = arith.constant 0 : i32
      %dma_start3A_112 = arith.constant 0 : i32
      %dma_start3A_113 = tpu.memref_slice %dma_start3A_110[%dma_start3A_111, %dma_start3A_112] : memref<10240x32xbf16, #tpu.memory_space<hbm>> -> memref<10240x32xbf16, #tpu.memory_space<hbm>>
      tpu.enqueue_indirect_dma source(%dma_start3A_113 : memref<10240x32xbf16, #tpu.memory_space<hbm>>) target(%arg12 : memref<128x32xbf16, #tpu.memory_space<vmem>>) offsets(%dma_start3A_106 : memref<128xi32, #tpu.memory_space<vmem>>) semaphore(%arg14 : memref<!tpu.dma_semaphore, #tpu.memory_space<semaphore_mem>>)
      %add3A_114 = arith.constant 1 : i32
      %add3A_115 = arith.addi %mul3A_68, %add3A_114 : i32
      "tpu.region"() ({
        %run_scoped3A = tpu.sem_alloc : memref<!tpu.dma_semaphore, #tpu.memory_space<semaphore_mem>>
        %dma_start3A_116 = arith.constant 0 : i32
        %dma_start3A_117 = tpu.memref_slice %arg11[%add3A_115, %dma_start3A_116] : memref<160x128xi32, #tpu.memory_space<vmem>> -> memref<1x128xi32, #tpu.memory_space<vmem>>
        %dma_start3A_118 = tpu.memref_squeeze %dma_start3A_117 : memref<1x128xi32, #tpu.memory_space<vmem>> -> memref<128xi32, #tpu.memory_space<vmem>>
        %dma_start3A_119 = arith.constant 0 : i32
        %dma_start3A_120 = arith.constant 0 : i32
        %dma_start3A_121 = tpu.memref_slice %arg22[%dma_start3A_119, %dma_start3A_120] : memref<10240x32xbf16, #tpu.memory_space<vmem_shared>> -> memref<10240x32xbf16, #tpu.memory_space<vmem_shared>>
        tpu.enqueue_indirect_dma source(%arg13 : memref<128x32xbf16, #tpu.memory_space<vmem>>) target(%dma_start3A_121 : memref<10240x32xbf16, #tpu.memory_space<vmem_shared>>) offsets(%dma_start3A_118 : memref<128xi32, #tpu.memory_space<vmem>>) semaphore(%run_scoped3A : memref<!tpu.dma_semaphore, #tpu.memory_space<semaphore_mem>>) {add = true}
        %dma_wait3A_122 = arith.constant 0 : i32
        %dma_wait3A_123 = tpu.memref_slice %arg11[%add3A_115, %dma_wait3A_122] : memref<160x128xi32, #tpu.memory_space<vmem>> -> memref<1x128xi32, #tpu.memory_space<vmem>>
        %dma_wait3A_124 = tpu.memref_squeeze %dma_wait3A_123 : memref<1x128xi32, #tpu.memory_space<vmem>> -> memref<128xi32, #tpu.memory_space<vmem>>
        %dma_wait3A_125 = arith.constant 0 : i32
        %dma_wait3A_126 = arith.constant 0 : i32
        %dma_wait3A_127 = tpu.memref_slice %arg22[%dma_wait3A_125, %dma_wait3A_126] : memref<10240x32xbf16, #tpu.memory_space<vmem_shared>> -> memref<10240x32xbf16, #tpu.memory_space<vmem_shared>>
        tpu.wait_indirect_dma semaphore(%run_scoped3A : memref<!tpu.dma_semaphore, #tpu.memory_space<semaphore_mem>>) src(%arg13 : memref<128x32xbf16, #tpu.memory_space<vmem>>) dst(%dma_wait3A_127 : memref<10240x32xbf16, #tpu.memory_space<vmem_shared>>)
        tpu.yield
      }) : () -> ()
    }
    %scan3A_53 = arith.constant 80 : i32
    %dma_wait3A_54 = arith.constant 160 : i32
    %dma_wait3A_55 = arith.constant 0 : i32
    %dma_wait3A_56 = tpu.memref_slice %arg10[%dma_wait3A_54, %dma_wait3A_55] : memref<161x128xi32, #tpu.memory_space<vmem>> -> memref<1x128xi32, #tpu.memory_space<vmem>>
    %dma_wait3A_57 = tpu.memref_squeeze %dma_wait3A_56 : memref<1x128xi32, #tpu.memory_space<vmem>> -> memref<128xi32, #tpu.memory_space<vmem>>
    %dma_wait3A_58 = arith.constant 0 : i32
    %dma_wait3A_59 = arith.constant 0 : i32
    %dma_wait3A_60 = tpu.memref_slice %arg8[%arg0, %dma_wait3A_58, %dma_wait3A_59] : memref<2x10240x32xbf16, #tpu.memory_space<hbm>> -> memref<1x10240x32xbf16, #tpu.memory_space<hbm>>
    %dma_wait3A_61 = tpu.memref_squeeze %dma_wait3A_60 : memref<1x10240x32xbf16, #tpu.memory_space<hbm>> -> memref<10240x32xbf16, #tpu.memory_space<hbm>>
    %dma_wait3A_62 = arith.constant 0 : i32
    %dma_wait3A_63 = arith.constant 0 : i32
    %dma_wait3A_64 = tpu.memref_slice %dma_wait3A_61[%dma_wait3A_62, %dma_wait3A_63] : memref<10240x32xbf16, #tpu.memory_space<hbm>> -> memref<10240x32xbf16, #tpu.memory_space<hbm>>
    tpu.wait_indirect_dma semaphore(%arg14 : memref<!tpu.dma_semaphore, #tpu.memory_space<semaphore_mem>>) src(%dma_wait3A_64 : memref<10240x32xbf16, #tpu.memory_space<hbm>>) dst(%arg12 : memref<128x32xbf16, #tpu.memory_space<vmem>>)
    %barrier3A_65 = arith.constant 0 : index
    tpu.barrier barrier_id(%barrier3A_65)
    "tpu.region"() ({
      %run_scoped3A = tpu.sem_alloc : memref<!tpu.dma_semaphore, #tpu.memory_space<semaphore_mem>>
      %dma_start3A_66 = arith.constant 0 : i32
      %dma_start3A_67 = tpu.memref_slice %arg9[%arg0, %mul3A_0, %dma_start3A_66] : memref<2x10240x32xbf16, #tpu.memory_space<hbm>> -> memref<1x640x32xbf16, #tpu.memory_space<hbm>>
      %dma_start3A_68 = tpu.memref_squeeze %dma_start3A_67 : memref<1x640x32xbf16, #tpu.memory_space<hbm>> -> memref<640x32xbf16, #tpu.memory_space<hbm>>
      %dma_start3A_69 = arith.constant 0 : i32
      %dma_start3A_70 = tpu.memref_slice %arg22[%mul3A_0, %dma_start3A_69] : memref<10240x32xbf16, #tpu.memory_space<vmem_shared>> -> memref<640x32xbf16, #tpu.memory_space<vmem_shared>>
      tpu.enqueue_dma source(%dma_start3A_70 : memref<640x32xbf16, #tpu.memory_space<vmem_shared>>) target(%dma_start3A_68 : memref<640x32xbf16, #tpu.memory_space<hbm>>) target_semaphore(%run_scoped3A : memref<!tpu.dma_semaphore, #tpu.memory_space<semaphore_mem>>)
      %dma_wait3A_71 = arith.constant 0 : i32
      %dma_wait3A_72 = tpu.memref_slice %arg9[%arg0, %mul3A_0, %dma_wait3A_71] : memref<2x10240x32xbf16, #tpu.memory_space<hbm>> -> memref<1x640x32xbf16, #tpu.memory_space<hbm>>
      %dma_wait3A_73 = tpu.memref_squeeze %dma_wait3A_72 : memref<1x640x32xbf16, #tpu.memory_space<hbm>> -> memref<640x32xbf16, #tpu.memory_space<hbm>>
      %dma_wait3A_74 = arith.constant 0 : i32
      %dma_wait3A_75 = tpu.memref_slice %arg22[%mul3A_0, %dma_wait3A_74] : memref<10240x32xbf16, #tpu.memory_space<vmem_shared>> -> memref<640x32xbf16, #tpu.memory_space<vmem_shared>>
      tpu.wait_dma2 semaphore(%run_scoped3A : memref<!tpu.dma_semaphore, #tpu.memory_space<semaphore_mem>>) src(%dma_wait3A_75 : memref<640x32xbf16, #tpu.memory_space<vmem_shared>>) dst(%dma_wait3A_73 : memref<640x32xbf16, #tpu.memory_space<hbm>>)
      tpu.yield
    }) : () -> ()
    return
  }
}

module attributes {stable_mosaic.version = 14 : i64} {
  func.func @_mma_body(%arg0: i32, %arg1: memref<2048x128xbf16, #tpu.memory_space<vmem>>, %arg2: memref<128x64xbf16, #tpu.memory_space<vmem>>, %arg3: memref<2048x64xf32, #tpu.memory_space<vmem>>) attributes {dimension_semantics = [#tpu.dimension_semantics<arbitrary>], iteration_bounds = array<i64: 5>, scalar_prefetch = 0 : i64, scratch_operands = 0 : i64, tpu.core_type = #tpu.core_type<tc>, window_params = [{transform_indices = @transform_0, window_bounds = array<i64: 2048, 128>}, {pipeline_mode = #tpu.pipeline_mode<synchronous>, transform_indices = @transform_1, window_bounds = array<i64: 128, 64>}, {transform_indices = @transform_2, window_bounds = array<i64: 2048, 64>}]} {
    %get3A = arith.constant 0 : index
    %get3A_0 = arith.constant 0 : index
    %get3A_1 = vector.load %arg1[%get3A, %get3A_0] : memref<2048x128xbf16, #tpu.memory_space<vmem>>, vector<2048x128xbf16>
    %get3A_2 = arith.constant 0 : index
    %get3A_3 = arith.constant 0 : index
    %get3A_4 = vector.load %arg2[%get3A_2, %get3A_3] : memref<128x64xbf16, #tpu.memory_space<vmem>>, vector<128x64xbf16>
    %dot_general3A = arith.constant dense<0.000000e+00> : vector<2048x64xf32>
    %dot_general3A_5 = tpu.matmul %get3A_1, %get3A_4, %dot_general3A {dimension_numbers = #tpu.dot_dimension_numbers<[1], [0], [0], [1], [0, 0, 1, 1], [], []>, transpose_lhs_hint = false} : vector<2048x128xbf16>, vector<128x64xbf16>, vector<2048x64xf32> -> vector<2048x64xf32>
    %swap3A = arith.constant 0 : index
    %swap3A_6 = arith.constant 0 : index
    %swap3A_7 = vector.load %arg3[%swap3A, %swap3A_6] : memref<2048x64xf32, #tpu.memory_space<vmem>>, vector<2048x64xf32>
    tpu.vector_store %arg3[%swap3A, %swap3A_6], %dot_general3A_5 {strides = array<i32>} : memref<2048x64xf32, #tpu.memory_space<vmem>>, vector<2048x64xf32>,
    return
  }
  func.func @transform_0(%arg0: i32) -> (i32, i32) {
    %c0_i32 = arith.constant 0 : i32
    %c0_i32_0 = arith.constant 0 : i32
    return %arg0, %c0_i32 : i32, i32
  }
  func.func @transform_1(%arg0: i32) -> (i32, i32) {
    %c0_i32 = arith.constant 0 : i32
    %c0_i32_0 = arith.constant 0 : i32
    %c0_i32_1 = arith.constant 0 : i32
    return %c0_i32, %c0_i32_0 : i32, i32
  }
  func.func @transform_2(%arg0: i32) -> (i32, i32) {
    %c0_i32 = arith.constant 0 : i32
    %c0_i32_0 = arith.constant 0 : i32
    return %arg0, %c0_i32 : i32, i32
  }
}

module attributes {stable_mosaic.version = 14 : i64} {
  func.func @_mmb_body(%arg0: i32, %arg1: memref<2048x64xf32, #tpu.memory_space<vmem>>, %arg2: memref<2048x1xf32, #tpu.memory_space<vmem>>, %arg3: memref<2048x1xf32, #tpu.memory_space<vmem>>, %arg4: memref<2048x32xbf16, #tpu.memory_space<vmem>>, %arg5: memref<2048x32xbf16, #tpu.memory_space<vmem>>, %arg6: memref<2048x32xbf16, #tpu.memory_space<vmem>>) attributes {dimension_semantics = [#tpu.dimension_semantics<arbitrary>], iteration_bounds = array<i64: 5>, scalar_prefetch = 0 : i64, scratch_operands = 0 : i64, tpu.core_type = #tpu.core_type<tc>, window_params = [{transform_indices = @transform_0, window_bounds = array<i64: 2048, 64>}, {transform_indices = @transform_1, window_bounds = array<i64: 2048, 1>}, {transform_indices = @transform_2, window_bounds = array<i64: 2048, 1>}, {transform_indices = @transform_3, window_bounds = array<i64: 2048, 32>}, {transform_indices = @transform_4, window_bounds = array<i64: 2048, 32>}, {transform_indices = @transform_5, window_bounds = array<i64: 2048, 32>}]} {
    %get3A = arith.constant 0 : index
    %get3A_0 = arith.constant 0 : index
    %get3A_1 = vector.load %arg2[%get3A, %get3A_0] : memref<2048x1xf32, #tpu.memory_space<vmem>>, vector<2048x1xf32>
    %get3A_2 = arith.constant 0 : index
    %get3A_3 = arith.constant 0 : index
    %get3A_4 = vector.load %arg3[%get3A_2, %get3A_3] : memref<2048x1xf32, #tpu.memory_space<vmem>>, vector<2048x1xf32>
    %add3A = arith.addf %get3A_1, %get3A_4 : vector<2048x1xf32>
    %add3A_5 = arith.constant 1.000000e+00 : f32
    %add3A_6 = vector.broadcast %add3A_5 : f32 to vector<2048x1xf32>
    %add3A_7 = arith.addf %add3A, %add3A_6 : vector<2048x1xf32>
    %rsqrt3A = math.rsqrt %add3A_7 : vector<2048x1xf32>
    %get3A_8 = arith.constant 0 : index
    %get3A_9 = arith.constant 0 : index
    %get3A_10 = vector.load %arg1[%get3A_8, %get3A_9] : memref<2048x64xf32, #tpu.memory_space<vmem>>, vector<2048x64xf32>
    %mul3A = vector.broadcast %rsqrt3A : vector<2048x1xf32> to vector<2048x64xf32>
    %mul3A_11 = arith.mulf %mul3A, %get3A_10 : vector<2048x64xf32>
    %slice3A = vector.extract_strided_slice %mul3A_11 {offsets = [0, 0], sizes = [2048, 32], strides = [1, 1]} : vector<2048x64xf32> to vector<2048x32xf32>
    %convert_element_type3A = arith.truncf %slice3A : vector<2048x32xf32> to vector<2048x32xbf16>
    %swap3A = arith.constant 0 : index
    %swap3A_12 = arith.constant 0 : index
    %swap3A_13 = vector.load %arg4[%swap3A, %swap3A_12] : memref<2048x32xbf16, #tpu.memory_space<vmem>>, vector<2048x32xbf16>
    tpu.vector_store %arg4[%swap3A, %swap3A_12], %convert_element_type3A {strides = array<i32>} : memref<2048x32xbf16, #tpu.memory_space<vmem>>, vector<2048x32xbf16>,
    %slice3A_14 = vector.extract_strided_slice %mul3A_11 {offsets = [0, 32], sizes = [2048, 32], strides = [1, 1]} : vector<2048x64xf32> to vector<2048x32xf32>
    %convert_element_type3A_15 = arith.truncf %slice3A_14 : vector<2048x32xf32> to vector<2048x32xbf16>
    %swap3A_16 = arith.constant 0 : index
    %swap3A_17 = arith.constant 0 : index
    %swap3A_18 = vector.load %arg5[%swap3A_16, %swap3A_17] : memref<2048x32xbf16, #tpu.memory_space<vmem>>, vector<2048x32xbf16>
    tpu.vector_store %arg5[%swap3A_16, %swap3A_17], %convert_element_type3A_15 {strides = array<i32>} : memref<2048x32xbf16, #tpu.memory_space<vmem>>, vector<2048x32xbf16>,
    %convert_element_type3A_19 = arith.truncf %rsqrt3A : vector<2048x1xf32> to vector<2048x1xbf16>
    %broadcast_in_dim3A = vector.shape_cast %convert_element_type3A_19 : vector<2048x1xbf16> to vector<2048x1xbf16>
    %broadcast_in_dim3A_20 = vector.broadcast %broadcast_in_dim3A : vector<2048x1xbf16> to vector<2048x32xbf16>
    %swap3A_21 = arith.constant 0 : index
    %swap3A_22 = arith.constant 0 : index
    %swap3A_23 = vector.load %arg6[%swap3A_21, %swap3A_22] : memref<2048x32xbf16, #tpu.memory_space<vmem>>, vector<2048x32xbf16>
    tpu.vector_store %arg6[%swap3A_21, %swap3A_22], %broadcast_in_dim3A_20 {strides = array<i32>} : memref<2048x32xbf16, #tpu.memory_space<vmem>>, vector<2048x32xbf16>,
    return
  }
  func.func @transform_0(%arg0: i32) -> (i32, i32) {
    %c0_i32 = arith.constant 0 : i32
    %c0_i32_0 = arith.constant 0 : i32
    return %arg0, %c0_i32 : i32, i32
  }
  func.func @transform_1(%arg0: i32) -> (i32, i32) {
    %c0_i32 = arith.constant 0 : i32
    %c0_i32_0 = arith.constant 0 : i32
    return %arg0, %c0_i32 : i32, i32
  }
  func.func @transform_2(%arg0: i32) -> (i32, i32) {
    %c0_i32 = arith.constant 0 : i32
    %c0_i32_0 = arith.constant 0 : i32
    return %arg0, %c0_i32 : i32, i32
  }
  func.func @transform_3(%arg0: i32) -> (i32, i32) {
    %c0_i32 = arith.constant 0 : i32
    %c0_i32_0 = arith.constant 0 : i32
    return %arg0, %c0_i32 : i32, i32
  }
  func.func @transform_4(%arg0: i32) -> (i32, i32) {
    %c0_i32 = arith.constant 0 : i32
    %c0_i32_0 = arith.constant 0 : i32
    return %arg0, %c0_i32 : i32, i32
  }
  func.func @transform_5(%arg0: i32) -> (i32, i32) {
    %c0_i32 = arith.constant 0 : i32
    %c0_i32_0 = arith.constant 0 : i32
    return %arg0, %c0_i32 : i32, i32
  }
}

module attributes {stable_mosaic.version = 14 : i64} {
  func.func @_fin_body(%arg0: i32, %arg1: memref<2000x32xbf16, #tpu.memory_space<vmem>>, %arg2: memref<2000x32xbf16, #tpu.memory_space<vmem>>, %arg3: memref<2000x32xbf16, #tpu.memory_space<vmem>>, %arg4: memref<2000x32xbf16, #tpu.memory_space<vmem>>, %arg5: memref<2000x1xf32, #tpu.memory_space<vmem>>, %arg6: memref<2000x1xf32, #tpu.memory_space<vmem>>, %arg7: memref<1x128xf32, #tpu.memory_space<vmem>>, %arg8: memref<64x128xf32, #tpu.memory_space<vmem>>, %arg9: memref<2000x128xf32, #tpu.memory_space<vmem>>) attributes {dimension_semantics = [#tpu.dimension_semantics<arbitrary>], iteration_bounds = array<i64: 5>, scalar_prefetch = 0 : i64, scratch_operands = 0 : i64, tpu.core_type = #tpu.core_type<tc>, window_params = [{transform_indices = @transform_0, window_bounds = array<i64: 2000, 32>}, {transform_indices = @transform_1, window_bounds = array<i64: 2000, 32>}, {transform_indices = @transform_2, window_bounds = array<i64: 2000, 32>}, {transform_indices = @transform_3, window_bounds = array<i64: 2000, 32>}, {transform_indices = @transform_4, window_bounds = array<i64: 2000, 1>}, {transform_indices = @transform_5, window_bounds = array<i64: 2000, 1>}, {pipeline_mode = #tpu.pipeline_mode<synchronous>, transform_indices = @transform_6, window_bounds = array<i64: 1, 128>}, {pipeline_mode = #tpu.pipeline_mode<synchronous>, transform_indices = @transform_7, window_bounds = array<i64: 64, 128>}, {transform_indices = @transform_8, window_bounds = array<i64: 2000, 128>}]} {
    %get3A = arith.constant 0 : index
    %get3A_0 = arith.constant 0 : index
    %get3A_1 = vector.load %arg5[%get3A, %get3A_0] : memref<2000x1xf32, #tpu.memory_space<vmem>>, vector<2000x1xf32>
    %get3A_2 = arith.constant 0 : index
    %get3A_3 = arith.constant 0 : index
    %get3A_4 = vector.load %arg6[%get3A_2, %get3A_3] : memref<2000x1xf32, #tpu.memory_space<vmem>>, vector<2000x1xf32>
    %add3A = arith.addf %get3A_1, %get3A_4 : vector<2000x1xf32>
    %add3A_5 = arith.constant 1.000000e+00 : f32
    %add3A_6 = vector.broadcast %add3A_5 : f32 to vector<2000x1xf32>
    %add3A_7 = arith.addf %add3A, %add3A_6 : vector<2000x1xf32>
    %rsqrt3A = math.rsqrt %add3A_7 : vector<2000x1xf32>
    %get3A_8 = arith.constant 0 : index
    %get3A_9 = arith.constant 0 : index
    %get3A_10 = vector.load %arg1[%get3A_8, %get3A_9] : memref<2000x32xbf16, #tpu.memory_space<vmem>>, vector<2000x32xbf16>
    %convert_element_type3A = arith.extf %get3A_10 : vector<2000x32xbf16> to vector<2000x32xf32>
    %get3A_11 = arith.constant 0 : index
    %get3A_12 = arith.constant 0 : index
    %get3A_13 = vector.load %arg3[%get3A_11, %get3A_12] : memref<2000x32xbf16, #tpu.memory_space<vmem>>, vector<2000x32xbf16>
    %convert_element_type3A_14 = arith.extf %get3A_13 : vector<2000x32xbf16> to vector<2000x32xf32>
    %add3A_15 = arith.addf %convert_element_type3A, %convert_element_type3A_14 : vector<2000x32xf32>
    %get3A_16 = arith.constant 0 : index
    %get3A_17 = arith.constant 0 : index
    %get3A_18 = vector.load %arg2[%get3A_16, %get3A_17] : memref<2000x32xbf16, #tpu.memory_space<vmem>>, vector<2000x32xbf16>
    %convert_element_type3A_19 = arith.extf %get3A_18 : vector<2000x32xbf16> to vector<2000x32xf32>
    %get3A_20 = arith.constant 0 : index
    %get3A_21 = arith.constant 0 : index
    %get3A_22 = vector.load %arg4[%get3A_20, %get3A_21] : memref<2000x32xbf16, #tpu.memory_space<vmem>>, vector<2000x32xbf16>
    %convert_element_type3A_23 = arith.extf %get3A_22 : vector<2000x32xbf16> to vector<2000x32xf32>
    %add3A_24 = arith.addf %convert_element_type3A_19, %convert_element_type3A_23 : vector<2000x32xf32>
    %concatenate3A = tpu.concatenate %add3A_15, %add3A_24 in 1 : vector<2000x32xf32>, vector<2000x32xf32> -> vector<2000x64xf32>
    %get3A_25 = arith.constant 0 : index
    %get3A_26 = arith.constant 0 : index
    %get3A_27 = vector.load %arg8[%get3A_25, %get3A_26] : memref<64x128xf32, #tpu.memory_space<vmem>>, vector<64x128xf32>
    %dot_general3A = arith.constant dense<0.000000e+00> : vector<2000x128xf32>
    %dot_general3A_28 = tpu.matmul %concatenate3A, %get3A_27, %dot_general3A {dimension_numbers = #tpu.dot_dimension_numbers<[1], [0], [0], [1], [0, 0, 1, 1], [], []>, transpose_lhs_hint = false} : vector<2000x64xf32>, vector<64x128xf32>, vector<2000x128xf32> -> vector<2000x128xf32>
    %mul3A = vector.broadcast %rsqrt3A : vector<2000x1xf32> to vector<2000x128xf32>
    %mul3A_29 = arith.mulf %mul3A, %dot_general3A_28 : vector<2000x128xf32>
    %get3A_30 = arith.constant 0 : index
    %get3A_31 = arith.constant 0 : index
    %get3A_32 = vector.load %arg7[%get3A_30, %get3A_31] : memref<1x128xf32, #tpu.memory_space<vmem>>, vector<1x128xf32>
    %add3A_33 = vector.broadcast %get3A_32 : vector<1x128xf32> to vector<2000x128xf32>
    %add3A_34 = arith.addf %mul3A_29, %add3A_33 : vector<2000x128xf32>
    %swap3A = arith.constant 0 : index
    %swap3A_35 = arith.constant 0 : index
    %swap3A_36 = vector.load %arg9[%swap3A, %swap3A_35] : memref<2000x128xf32, #tpu.memory_space<vmem>>, vector<2000x128xf32>
    tpu.vector_store %arg9[%swap3A, %swap3A_35], %add3A_34 {strides = array<i32>} : memref<2000x128xf32, #tpu.memory_space<vmem>>, vector<2000x128xf32>,
    return
  }
  func.func @transform_0(%arg0: i32) -> (i32, i32) {
    %c0_i32 = arith.constant 0 : i32
    %c0_i32_0 = arith.constant 0 : i32
    return %arg0, %c0_i32 : i32, i32
  }
  func.func @transform_1(%arg0: i32) -> (i32, i32) {
    %c0_i32 = arith.constant 0 : i32
    %c0_i32_0 = arith.constant 0 : i32
    return %arg0, %c0_i32 : i32, i32
  }
  func.func @transform_2(%arg0: i32) -> (i32, i32) {
    %c0_i32 = arith.constant 0 : i32
    %c0_i32_0 = arith.constant 0 : i32
    return %arg0, %c0_i32 : i32, i32
  }
  func.func @transform_3(%arg0: i32) -> (i32, i32) {
    %c0_i32 = arith.constant 0 : i32
    %c0_i32_0 = arith.constant 0 : i32
    return %arg0, %c0_i32 : i32, i32
  }
  func.func @transform_4(%arg0: i32) -> (i32, i32) {
    %c0_i32 = arith.constant 0 : i32
    %c0_i32_0 = arith.constant 0 : i32
    return %arg0, %c0_i32 : i32, i32
  }
  func.func @transform_5(%arg0: i32) -> (i32, i32) {
    %c0_i32 = arith.constant 0 : i32
    %c0_i32_0 = arith.constant 0 : i32
    return %arg0, %c0_i32 : i32, i32
  }
  func.func @transform_6(%arg0: i32) -> (i32, i32) {
    %c0_i32 = arith.constant 0 : i32
    %c0_i32_0 = arith.constant 0 : i32
    %c0_i32_1 = arith.constant 0 : i32
    return %c0_i32, %c0_i32_0 : i32, i32
  }
  func.func @transform_7(%arg0: i32) -> (i32, i32) {
    %c0_i32 = arith.constant 0 : i32
    %c0_i32_0 = arith.constant 0 : i32
    %c0_i32_1 = arith.constant 0 : i32
    return %c0_i32, %c0_i32_0 : i32, i32
  }
  func.func @transform_8(%arg0: i32) -> (i32, i32) {
    %c0_i32 = arith.constant 0 : i32
    %c0_i32_0 = arith.constant 0 : i32
    return %arg0, %c0_i32 : i32, i32
  }
}

</mosaic_0001>

<sc_bundles>
// kernel: kernel.10.cloned.1.call-start
scs
__scs_entry_jumppad:
0x0: {  	(pc) =	sbr.rel $0x88, $3  }
0x1: {  	(tag) =	ssettag $0x0;
	lr =	simm.s32 $0x1  }
0x2: {  	[smem:$0x3F9B] =	sst lr;
	_ =	strace $0xD0000000  }
0x3: {  	_ = 	snop  }
0x4: {  	_ = 	snop  }
0x5: {  	_ = 	snop  }
0x6: {  	_ = 	snop  }
0x7: {  	_ = 	snop  }
__scs_overlays_trampoline_lowered:
0x8: {  	[smem:$0x3FAA] =	sst s0  }
0x9: {  	[smem:$0x3FAB] =	sst s1  }
0xa: {  	[smem:$0x3FAC] =	sst s2  }
0xb: {  	[smem:$0x3FAD] =	sst s3  }
0xc: {  	[smem:$0x3FAE] =	sst s4  }
0xd: {  	[smem:$0x3FAF] =	sst s5  }
0xe: {  	[smem:$0x3FB0] =	sst s6  }
0xf: {  	[smem:$0x3FB1] =	sst s7  }
0x10: {  	[smem:$0x3FB2] =	sst s8  }
0x11: {  	[smem:$0x3FB3] =	sst s9;
	s0 =	simm.s32 @!p0 $0x0  }
0x12: {  	s1 =	sld [smem:$0x3F99];
	s0 =	simm.s32 @p0 $0x1  }
0x13: {  	[smem:$0x3FB4] =	sst s0;
	s0 =	simm.s32 @!p1 $0x0  }
0x14: {  	s2 =	sld [smem:$0x3F98];
	s0 =	simm.s32 @p1 $0x1  }
0x15: {  	[smem:$0x3FB5] =	sst s0;
	s0 =	simm.s32 @!p2 $0x0  }
0x16: {  	s3 =	sld [smem:$0x3FDB];
	s0 =	simm.s32 @p2 $0x1  }
0x17: {  	s4 =	simm.s32 $0x1BF5;
	[smem:$0x3FB7] =	sst s0  }
0x18: {  	s0 =	sld [smem:$0x3F9A];
	_ =	swait.ge [sflag:s4], $0x0  }
0x19: {  	s7 =	sld [smem:$0x3F9B]  }
0x1a: {  	s8 =	sadd.s32 $0xFFFFE003, lr  }
0x1b: {  	s9 =	sadd.s32 $0xFFFFFEF7, lr;
	s5 =	simm.s32 $0xFFFFFFFF;
	p2 =	slt.u32 s8, $0xFFFFF086  }
0x1c: {  	p1 =	slt.u32 s9, $0xF7A;
	s5 =	simm.s32 @!p2 $0x0  }
0x1d: {  	s5 =	simm.s32 @p1 $0x1;
	p0 =	seq.s32 s7, s2  }
0x1e: {  	s7 =	smul.u32 @!p0 $0xF7A, s2;
	p2 =	seq.s32 @!p0 s5, $0x0  }
0x1f: {  	s9 =	smul.u32 $0xF7A, s1;
	s8 =	simm.s32 @!p0 $0x1BF5;
	p2 =	por !p2, p0  }
0x20: {  	[sflag:s8] =	ssyncset.s32 @!p0 $0xFFFFF086;
	s6 =	sadd.s32 @!p0 s3, s7;
	s7 =	simm.s32 @!p0 $0x108  }
0x21: {  	s3 =	sadd.s32 s3, s9;
	s6 =	sadd.s32 @!p0 $0x88, s6;
	s7 =	simm.s32 @p2 $0x1082  }
0x22: {  	[simem:s7], [sflag:s8] =	dma.local @!p0 [hbm:s6], $0xF7A  }
0x23: {  	s9 =	sor.u32 $0xD0000000, s2;
	s6 =	simm.s32 $0x108;
	_ =	swait.ge @!p0 [sflag:s8], $0x0  }
0x24: {  	s3 =	sadd.s32 $0x88, s3;
	s6 =	simm.s32 @!p1 $0x1082;
	[sflag:s4] =	ssyncset.s32 $0xFFFFF086  }
0x25: {  	[simem:s6], [sflag:s4] =	dma.local [hbm:s3], $0xF7A  }
0x26: {  	[smem:$0x3F9B] =	sst s1;
	(tag) =	ssettag s2;
	_ =	strace s9  }
0x27: {  	s1 =	sld [smem:$0x3FAB]  }
0x28: {  	s2 =	sld [smem:$0x3FAC]  }
0x29: {  	s4 =	sld [smem:$0x3FAE]  }
0x2a: {  	p0 =	seq.s32 s5, $0x0;
	s5 =	sld [smem:$0x3FAF]  }
0x2b: {  	s6 =	sld [smem:$0x3FB0]  }
0x2c: {  	s7 =	sld [smem:$0x3FB1]  }
0x2d: {  	s3 =	simm.s32 $0x108;
	s8 =	sld [smem:$0x3FB2]  }
0x2e: {  	s3 =	simm.s32 @!p0 $0x1082;
	s9 =	sld [smem:$0x3FB3]  }
0x2f: {  	lr =	sadd.s32 s0, s3;
	s0 =	sld [smem:$0x3FAA]  }
0x30: {  	s3 =	sld [smem:$0x3FAD]  }
0x31: {  	[smem:$0x3FB6] =	sst s10  }
0x32: {  	s10 =	sld [smem:$0x3FB4];
	_ =	sdelay $0x3  }
0x33: {  	p0 =	seq.s32 s10, $0x1;
	s10 =	sld [smem:$0x3FB6];
	_ =	sdelay $0x3  }
0x34: {  	[smem:$0x3FB6] =	sst s10  }
0x35: {  	s10 =	sld [smem:$0x3FB5];
	_ =	sdelay $0x3  }
0x36: {  	p1 =	seq.s32 s10, $0x1;
	s10 =	sld [smem:$0x3FB6];
	_ =	sdelay $0x3  }
0x37: {  	[smem:$0x3FB6] =	sst s10  }
0x38: {  	s10 =	sld [smem:$0x3FB7]  }
0x39: {  	_ = 	snop;
	(pc) =	sbr.ind lr, $3  }
0x3a: {  	_ = 	snop  }
0x3b: {  	_ = 	snop  }
0x3c: {  	p2 =	seq.s32 s10, $0x1;
	s10 =	sld [smem:$0x3FB6]  }
0x3d: {  	_ =	shalt  }
0x3e: {  	_ =	shalt  }
0x3f: {  	_ =	shalt  }
0x40: {  	_ =	shalt  }
0x41: {  	_ =	shalt  }
0x42: {  	_ =	shalt  }
0x43: {  	_ =	shalt  }
0x44: {  	_ =	shalt  }
0x45: {  	_ =	shalt  }
0x46: {  	_ =	shalt  }
0x47: {  	_ =	shalt  }
0x48: {  	_ =	shalt  }
0x49: {  	_ =	shalt  }
0x4a: {  	_ =	shalt  }
0x4b: {  	_ =	shalt  }
0x4c: {  	_ =	shalt  }
0x4d: {  	_ =	shalt  }
0x4e: {  	_ =	shalt  }
0x4f: {  	_ =	shalt  }
0x50: {  	_ =	shalt  }
0x51: {  	_ =	shalt  }
0x52: {  	_ =	shalt  }
0x53: {  	_ =	shalt  }
0x54: {  	_ =	shalt  }
0x55: {  	_ =	shalt  }
0x56: {  	_ =	shalt  }
0x57: {  	_ =	shalt  }
0x58: {  	_ =	shalt  }
0x59: {  	_ =	shalt  }
0x5a: {  	_ =	shalt  }
0x5b: {  	_ =	shalt  }
0x5c: {  	_ =	shalt  }
0x5d: {  	_ =	shalt  }
0x5e: {  	_ =	shalt  }
0x5f: {  	_ =	shalt  }
0x60: {  	_ =	shalt  }
0x61: {  	_ =	shalt  }
0x62: {  	_ =	shalt  }
0x63: {  	_ =	shalt  }
0x64: {  	_ =	shalt  }
0x65: {  	_ =	shalt  }
0x66: {  	_ =	shalt  }
0x67: {  	_ =	shalt  }
0x68: {  	_ =	shalt  }
0x69: {  	_ =	shalt  }
0x6a: {  	_ =	shalt  }
0x6b: {  	_ =	shalt  }
0x6c: {  	_ =	shalt  }
0x6d: {  	_ =	shalt  }
0x6e: {  	_ =	shalt  }
0x6f: {  	_ =	shalt  }
0x70: {  	_ =	shalt  }
0x71: {  	_ =	shalt  }
0x72: {  	_ =	shalt  }
0x73: {  	_ =	shalt  }
0x74: {  	_ =	shalt  }
0x75: {  	_ =	shalt  }
0x76: {  	_ =	shalt  }
0x77: {  	_ =	shalt  }
0x78: {  	_ =	shalt  }
0x79: {  	_ =	shalt  }
0x7a: {  	_ =	shalt  }
0x7b: {  	_ =	shalt  }
0x7c: {  	_ =	shalt  }
0x7d: {  	_ =	shalt  }
0x7e: {  	_ =	shalt  }
0x7f: {  	_ =	shalt  }
0x80: {  	_ =	shalt  }
0x81: {  	_ =	shalt  }
0x82: {  	_ =	shalt  }
0x83: {  	_ =	shalt  }
0x84: {  	_ =	shalt  }
0x85: {  	_ =	shalt  }
0x86: {  	_ =	shalt  }
0x87: {  	_ =	shalt  }
.Lfunc_end0:
.L_simem_size_0:
called_computation.1_lowered:
.L_overlay_start_0:
0x88: {  	s2 =	sld [smem:$0x3FD9]  }
0x89: {  	s3 =	sld [smem:$0x3FFE];
	_ =	sdelay $0x1  }
0x8a: {  	s1 =	srdreg.scid  }
0x8b: {  	s0 =	sand.u32 $0x1, s1  }
0x8c: {  	s17 =	sshll.u32 s0, $0xA;
	s2 =	sadd.s32 s3, s2  }
0x8d: {  	s2 =	sadd.s32 s2, s17  }
0x8e: {  	[smem:$0x3FC2] =	sst s2  }
0x8f: {  	_ = 	snop  }
0x90: {  	s2 =	sld [smem:$0x3FD0];
	(tm) =	ssettm $0x1  }
0x91: {  	s18 =	sld [smem:$0x3FFB];
	_ =	sdelay $0x3  }
0x92: {  	_ =	strace s18  }
0x93: {  	s3 =	sld [smem:$0x3FFC];
	_ =	sdelay $0x3  }
0x94: {  	_ =	strace s3  }
0x95: {  	s3 =	sld [smem:$0x3FFD];
	_ =	sdelay $0x3  }
0x96: {  	_ =	strace s3  }
0x97: {  	_ =	strace $0x8FFFFFFF  }
0x98: {  	s19 =	sld [smem:$0x3FDB];
	_ =	sdelay $0x1  }
0x99: {  	s4 =	simm.s32 $_scs_section_size  }
0x9a: {  	s5 =	simm.s32 $_size__tile_overlayer_lowered;
	s6 =	simm.s32 $_tile_overlayer_lowered  }
0x9b: {  	s22 =	simm.s32 $0x1BFF;
	s21 =	sshll.u32 s6, $0x1;
	s3 =	sadd.s32 s4, s19  }
0x9c: {  	s7 =	simm.s32 $0x0;
	s20 =	sshll.u32 s5, $0x1;
	s5 =	sadd.s32 s21, s3  }
0x9d: {  	[timem:s7], [sflag:s22] =	dma.local [hbm:s5], s20  }
0x9e: {  	_ =	swait.ge [sflag:s22], s20  }
0x9f: {  	s4 =	ssub.s32 $0x0, s20;
	[sflag:s22] =	ssyncset.done $0x0  }
0xa0: {  	[sflag:s22] =	ssyncadd.s32 s4;
	_ =	sdelay $0x1  }
0xa1: {  	s23 =	simm.s32 $0x1B8B  }
0xa2: {  	_ =	swait.ge [sflag:s23], $0x1  }
0xa3: {  	[sflag:s23] =	ssyncset.done $0x0  }
0xa4: {  	s25 =	simm.s32 $0x1B8E;
	s24 =	sld [smem:$0x3FFE];
	[sflag:s23] =	ssyncadd.s32 $0xFFFFFFFF  }
0xa5: {  	s26 =	simm.s32 $execute0_lowered;
	[smem:$0x3FD2] =	sst s25  }
0xa6: {  	s5 =	sshll.u32 s26, $0x1;
	_ =	strace $0x80000049;
	[dreg:$0x1] =	wrdreg $0xFFFFFFFF  }
0xa7: {  	s28 =	simm.s32 $_size_execute0_lowered;
	s3 =	sadd.s32 s3, s5;
	[dreg:$0x0] =	wrdreg $0x0  }
0xa8: {  	s5 =	sshll.u32 s28, $0x1;
	[dreg:$0x2] =	wrdreg s3  }
0xa9: {  	[dreg:$0x3] =	wrdreg s5  }
0xaa: {  	[dreg:$0x4] =	wrdreg $0xC0  }
0xab: {  	_ =	task [dreg:s7], $0x5FFFF  }
0xac: {  	[dreg:$0x1] =	wrdreg $0xFFFFFFFF  }
0xad: {  	[dreg:$0x0] =	wrdreg $0x60  }
0xae: {  	[dreg:$0x2] =	wrdreg s24  }
0xaf: {  	[dreg:$0x3] =	wrdreg s2  }
0xb0: {  	[dreg:$0x4] =	wrdreg $0x150900  }
0xb1: {  	[dreg:$0x5] =	wrdreg $0x178900  }
0xb2: {  	[dreg:$0x6] =	wrdreg $0x9  }
0xb3: {  	_ =	task.clear_ibuf [dreg:s7], $0x7FFFF;
	_ =	strace $0x90000049  }
0xb4: {  	s29 =	simm.s32 $0x9;
	_ =	strace $0x8000004B  }
0xb5: {  	_ =	swait.ge [sflag:s29], $0x1  }
0xb6: {  	[sflag:s29] =	ssyncadd.s32 $0xFFFFFFFF  }
0xb7: {  	_ =	strace $0x9000004B  }
0xb8: {  	_ =	sfence  }
0xb9: {  	s30 =	sld [smem:$0x0];
	_ =	sdelay $0x2  }
0xba: {  	s31 =	sshll.u32 s1, $0xD;
	s1 =	sshrl.u32 s1, $0x2  }
0xbb: {  	s3 =	sand.u32 $0x4000, s31;
	s1 =	sadd.s32 s1, s30  }
0xbc: {  	s0 =	sor.u32 s3, s0;
	s1 =	sshll.u32 s1, $0x11  }
0xbd: {  	s0 =	sor.u32 s1, s0  }
0xbe: {  	s0 =	sadd.s32 $0x8F2B, s0  }
0xbf: {  	[sflag:s0] =	ssyncadd.remote.s32 $0x1  }
0xc0: {  	_ =	sfence.sel $0xFFFF  }
0xc1: {  	[dreg:$0x0] =	wrdreg $0xFFFFFFFF;
	(pc) =	sbr.abs _section_cstart, $3  }
0xc2: {  	[dreg:$0x1] =	wrdreg $0xFFFFFFFF  }
0xc3: {  	_ =	task.clear_ibuf [dreg:s7], $0x2FFFF;
	_ =	strace $0x9FFFFFFF  }
0xc4: {  	(tm) =	ssettm $0x7FFFFFFF  }
0xc5: {  	_ =	shalt  }
tec
execute0_lowered:
.L_overlay_start_1:
0x0: {  	(tag) =	ssettag $0x1  }
0x1: {  	s0 =	rddreg [dreg:$0x0]  }
0x2: {  	s1 =	rddreg [dreg:$0x1]  }
0x3: {  	s2 =	rddreg [dreg:$0x2]  }
0x4: {  	s3 =	rddreg [dreg:$0x3];
	s17 =	stileid.u32  }
0x5: {  	s4 =	simm.s32 $0x0;
	s6 =	srdreg.scid;
	s20 =	simm.s32 $0x3  }
0x6: {  	s28 =	simm.s32 $0xA880;
	s29 =	simm.s32 $0x2;
	s5 =	smul.u32 $0xA00, s17  }
0x7: {  	[smem:$0x7FF] =	sst s4;
	s7 =	smul.u32 $0x5000, s17;
	s6 =	sand.u32 $0x1, s6  }
0x8: {  	s14 =	sadd.s32 $0x11400, s0;
	s16 =	sadd.s32 $0x20400, s0;
	s9 =	smul.u32 $0xA10, s17  }
0x9: {  	s30 =	sshll.u32 s17, $0x6;
	_ =	strace $0x8000004A;
	s12 =	smul.u32 $0x50000, s6  }
0xa: {  	s24 =	sshll.u32 s6, $0x1;
	s25 =	ssub.s32 $0x2, s6;
	s10 =	sadd.s32 s5, s0  }
0xb: {  	s23 =	sshrl.u32 s7, $0x4;
	s13 =	sadd.s32 s24, s0;
	s6 =	sshrl.u32 s25, $0x1  }
0xc: {  	s26 =	sshrl.u32 s7, $0x1;
	s9 =	sadd.s32 s1, s9;
	s24 =	simm.s32 $0x80  }
0xd: {  	s1 =	simm.s32 $0x0;
	s11 =	sadd.s32 s23, s0;
	s8 =	sadd.s32 s7, s12  }
0xe: {  	s18 =	ssub.s32 s25, s6;
	s5 =	sadd.s32 s26, s2;
	s7 =	sor.u32 $0x1C03, s30  }
0xf: {  	s10 =	sadd.s32 $0x1200, s10;
	s31 =	sshrl.u32 s12, $0x4;
	s12 =	sadd.s32 $0x11200, s13  }
0x10: {  	s25 =	simm.s32 $0xA080;
	s15 =	sshrl.u32 s8, $0x4;
	s6 =	sadd.s32 $0xC200, s11  }
0x11: {  	s8 =	sadd.s32 s26, s3;
	s11 =	sadd.s32 $0x1B400, s11;
	s13 =	sadd.s32 s14, s31  }
0x12: {  	s18 =	smax.u32 s18, $0x1;
	s19 =	sshrl.u32 s5, $0x3;
	s26 =	simm.s32 $0x1  }
0x13: {  	s0 =	sadd.s32 s15, s0;
	s14 =	sadd.s32 s14, s15;
	s15 =	sadd.s32 s16, s15  }
0x14: {  	v0 =	vimm.bf16 $0.0e+00;
	s16 =	sadd.s32 s16, s31;
	s17 =	sadd.s32 $0x2A400, s0;
	s0 =	simm.s32 $0x10080  }
.LBB2_1:
0x15: {  	[spmem:s19], [sflag:s7] =	dma.local [hbm:s6], $0x500  }
0x16: {  	_ =	swait.ge [sflag:s20], $0x500  }
0x17: {  	[sflag:s20] =	ssyncset.done $0x0  }
0x18: {  	s21 =	sshrl.u32 s8, $0x3;
	[sflag:s20] =	ssyncadd.s32 $0xFFFFFB00  }
0x19: {  	[spmem:s21], [sflag:s7] =	dma.local [hbm:s6], $0x500  }
0x1a: {  	_ =	swait.ge [sflag:s20], $0x500  }
0x1b: {  	[sflag:s20] =	ssyncset.done $0x0  }
0x1c: {  	[sflag:s20] =	ssyncadd.s32 $0xFFFFFB00  }
0x1d: {  	[tilespmem:s4], [sflag:$0x3] =	stream.linear.gather [hbm4b:s9+s4], $0x5080, $0x38;
	[tilespmem:$0x1A090] =	vst v63  }
0x1e: {  	_ =	swait.ge [sflag:s20], $0x5080  }
0x1f: {  	[sflag:s20] =	ssyncset.done $0x0  }
0x20: {  	s22 =	simm.s32 $0x5080;
	[sflag:s20] =	ssyncadd.s32 $0xFFFFAF80  }
0x21: {  	[tilespmem:s22], [sflag:$0x3] =	stream.linear.gather [hbm4b:s10+s4], $0x5000, $0x38;
	[tilespmem:$0x1A090] =	vst v63  }
0x22: {  	_ =	swait.ge [sflag:s20], $0x5000  }
0x23: {  	[sflag:s20] =	ssyncset.done $0x0  }
0x24: {  	s23 =	simm.s32 $0x12890;
	[sflag:s20] =	ssyncadd.s32 $0xFFFFB000  }
0x25: {  	[tilespmem:s23], [sflag:$0x3] =	stream.linear.gather [hbm4b:s11+s4], $0x2800, $0x38;
	[tilespmem:$0x1A090] =	vst v63  }
0x26: {  	_ =	swait.ge [sflag:s20], $0x2800  }
0x27: {  	[sflag:s20] =	ssyncset.done $0x0  }
0x28: {  	s30 =	simm.s32 $0x12880;
	[sflag:s20] =	ssyncadd.s32 $0xFFFFD800  }
0x29: {  	[tilespmem:s30], [sflag:$0x3] =	stream.linear.gather [hbm4b:s12+s4], $0x10, $0x38;
	[tilespmem:$0x1A090] =	vst v63  }
0x2a: {  	_ =	swait.ge [sflag:s20], $0x10  }
0x2b: {  	[sflag:s20] =	ssyncset.done $0x0  }
0x2c: {  	[sflag:s20] =	ssyncadd.s32 $0xFFFFFFF0  }
0x2d: {  	[bflag:$0x0] =	sbarrier.arrive $0xFFFF  }
0x2e: {  	[tilespmem:s25], [sflag:$0x1] =	stream.indirect.gather [hbm4b:s13+s24], $0x10, s4, s24, $0xb8;
	[tilespmem:$0x1A090] =	vst v63  }
0x2f: {  	_ =	swait.ge [sflag:s26], $0x800  }
0x30: {  	[sflag:s26] =	ssyncset.done $0x0  }
0x31: {  	s31 =	simm.s32 $0x80;
	[sflag:s26] =	ssyncadd.s32 $0xFFFFF800  }
0x32: {  	[tilespmem:s28], [sflag:$0x2] =	stream.indirect.gather [hbm4b:s13+s24], $0x10, s31, s24, $0xb8;
	[tilespmem:$0x1A090] =	vst v63  }
0x33: {  	s23 =	simm.s32 $0x5080  }
0x34: {  	[spmem:s2] =	stream.indirect.scatter.add.bf16 [tilespmem:s25], [sflag:$0x3], $0x10, s23, s24, $0xb8;
	[tilespmem:$0x1A090] =	vst v63  }
0x35: {  	_ =	swait.ge [sflag:s20], $0x800  }
0x36: {  	[sflag:s20] =	ssyncset.done $0x0  }
0x37: {  	[sflag:s20] =	ssyncadd.s32 $0xFFFFF800  }
0x38: {  	_ =	swait.ge [sflag:s29], $0x800  }
0x39: {  	[sflag:s29] =	ssyncset.done $0x0  }
0x3a: {  	s30 =	simm.s32 $0x100;
	[sflag:s29] =	ssyncadd.s32 $0xFFFFF800  }
0x3b: {  	[tilespmem:s25], [sflag:$0x1] =	stream.indirect.gather [hbm4b:s13+s24], $0x10, s30, s24, $0xb8;
	[tilespmem:$0x1A090] =	vst v63  }
0x3c: {  	s31 =	simm.s32 $0x5100  }
0x3d: {  	[spmem:s2] =	stream.indirect.scatter.add.bf16 [tilespmem:s28], [sflag:$0x3], $0x10, s31, s24, $0xb8;
	[tilespmem:$0x1A090] =	vst v63  }
0x3e: {  	_ =	swait.ge [sflag:s20], $0x800  }
0x3f: {  	s22 =	simm.s32 $0x400;
	[sflag:s20] =	ssyncset.done $0x0  }
.LBB2_2:
0x40: {  	p0 =	sne.s32 s22, $0x13C00  }
0x41: {  	[sflag:s20] =	ssyncadd.s32 $0xFFFFF800;
	s23 =	smov.u32 s22;
	s22 =	sadd.s32 $0x400, s22  }
0x42: {  	_ = 	snop  }
0x43: {  	_ =	swait.ge [sflag:s26], $0x800  }
0x44: {  	s23 =	sshra.s32 s23, $0x2;
	[sflag:s26] =	ssyncset.done $0x0  }
0x45: {  	s30 =	sadd.s32 $0x80, s23;
	[sflag:s26] =	ssyncadd.s32 $0xFFFFF800  }
0x46: {  	[tilespmem:s28], [sflag:$0x2] =	stream.indirect.gather [hbm4b:s13+s24], $0x10, s30, s24, $0xb8;
	[tilespmem:$0x1A090] =	vst v63  }
0x47: {  	s30 =	sadd.s32 $0x5080, s23  }
0x48: {  	[spmem:s2] =	stream.indirect.scatter.add.bf16 [tilespmem:s25], [sflag:$0x3], $0x10, s30, s24, $0xb8;
	[tilespmem:$0x1A090] =	vst v63  }
0x49: {  	_ =	swait.ge [sflag:s20], $0x800  }
0x4a: {  	[sflag:s20] =	ssyncset.done $0x0  }
0x4b: {  	[sflag:s20] =	ssyncadd.s32 $0xFFFFF800  }
0x4c: {  	_ =	swait.ge [sflag:s29], $0x800  }
0x4d: {  	[sflag:s29] =	ssyncset.done $0x0  }
0x4e: {  	s30 =	sadd.s32 $0x100, s23;
	[sflag:s29] =	ssyncadd.s32 $0xFFFFF800  }
0x4f: {  	[tilespmem:s25], [sflag:$0x1] =	stream.indirect.gather [hbm4b:s13+s24], $0x10, s30, s24, $0xb8;
	[tilespmem:$0x1A090] =	vst v63  }
.Ltmp0:
0x50: {  	_ = 	snop;
	(pc) =	sbr.rel @p0 .LBB2_2-.Ltmp0, $4  }
0x51: {  	s23 =	sadd.s32 $0x5100, s23  }
0x52: {  	[spmem:s2] =	stream.indirect.scatter.add.bf16 [tilespmem:s28], [sflag:$0x3], $0x10, s23, s24, $0xb8;
	[tilespmem:$0x1A090] =	vst v63  }
0x53: {  	_ =	swait.ge [sflag:s20], $0x800  }
0x54: {  	[sflag:s20] =	ssyncset.done $0x0  }
0x55: {  	[sflag:s20] =	ssyncadd.s32 $0xFFFFF800  }
0x56: {  	_ =	swait.ge [sflag:s26], $0x800  }
0x57: {  	[sflag:s26] =	ssyncset.done $0x0  }
0x58: {  	[sflag:s26] =	ssyncadd.s32 $0xFFFFF800  }
0x59: {  	s22 =	simm.s32 $0xB080;
	[bflag:$0x0] =	sbarrier.arrive $0xFFFF  }
0x5a: {  	[tilespmem:s22], [sflag:$0x3] =	stream.linear.gather [spmem:s5], $0x2800, $0x38;
	[tilespmem:$0x1A090] =	vst v63  }
0x5b: {  	_ =	swait.ge [sflag:s20], $0x2800  }
0x5c: {  	[sflag:s20] =	ssyncset.done $0x0  }
0x5d: {  	s31 =	simm.s32 $0x0;
	s23 =	simm.s32 $0xD880;
	[sflag:s20] =	ssyncadd.s32 $0xFFFFD800  }
0x5e: {  	[tilespmem:s23], [sflag:$0x3] =	stream.linear.gather [hbm4b:s14+s31], $0x2800, $0x38;
	[tilespmem:$0x1A090] =	vst v63  }
0x5f: {  	_ =	swait.ge [sflag:s20], $0x2800  }
0x60: {  	[sflag:s20] =	ssyncset.done $0x0  }
0x61: {  	s22 =	simm.s32 $0x0;
	[sflag:s20] =	ssyncadd.s32 $0xFFFFD800  }
0x62: {  	v3 =	vld [tilespmem:s22+$0xB080]  }
0x63: {  	v4 =	vld [tilespmem:s22+$0xD880];
	_ =	sdelay $0x1  }
0x64: {  	v1 =	vld [tilespmem:s22+$0x12890];
	_ =	sdelay $0x1  }
0x65: {  	s23 =	simm.s32 $0x10;
	v2 =	vld [tilespmem:$0x12880]  }
0x66: {  	v5 =	vld [tilespmem:s23+$0xD880];
	v3 =	vadd.bf16 v4, v3  }
0x67: {  	v4 =	vld [tilespmem:s23+$0xB080]  }
0x68: {  	v6 =	vmul.bf16 v3, v1  }
0x69: {  	v3 =	vld [tilespmem:s23+$0x12890]  }
0x6a: {  	s30 =	simm.s32 $0x80;
	v6 =	vadd.bf16 v6, v2  }
.LBB2_4:
0x6b: {  	s31 =	sshra.s32 s30, $0x2;
	p0 =	sne.s32 s30, $0x9FC0  }
.Ltmp1:
0x6c: {  	s30 =	sadd.s32 $0x40, s30;
	v7 =	vadd.bf16 v5, v4;
	v4 =	vld [tilespmem:s31+$0xB080];
	v6 =	vmax.bf16 v6, v0;
	(pc) =	sbr.rel @p0 .LBB2_4-.Ltmp1, $4  }
0x6d: {  	v5 =	vld [tilespmem:s31+$0xD880];
	v6 =	vmul.bf16 v6, v1  }
0x6e: {  	v7 =	vmul.bf16 v7, v3;
	v1 =	vmov v3  }
0x6f: {  	v3 =	vld [tilespmem:s31+$0x12890];
	[tilespmem:s22+$0x10080] =	vst v6;
	s22 =	smov.u32 s23;
	s23 =	smov.u32 s31  }
0x70: {  	v6 =	vadd.bf16 v7, v2  }
0x71: {  	_ = 	snop  }
0x72: {  	v4 =	vadd.bf16 v5, v4;
	_ =	sdelay $0x1  }
0x73: {  	v4 =	vmul.bf16 v4, v3;
	_ =	sdelay $0x1  }
0x74: {  	v2 =	vadd.bf16 v4, v2  }
0x75: {  	v63 =	vmax.bf16 v6, v0  }
0x76: {  	v1 =	vmul.bf16 v63, v1;
	v2 =	vmax.bf16 v2, v0  }
0x77: {  	v2 =	vmul.bf16 v2, v3  }
0x78: {  	[tilespmem:s22+$0x10080] =	vst v1  }
0x79: {  	s30 =	simm.s32 $0x0;
	[tilespmem:s23+$0x10080] =	vst v2  }
0x7a: {  	[hbm4b:s15+s30] =	stream.linear.scatter [tilespmem:s0], [sflag:$0x3], $0x2800, $0x38;
	[tilespmem:$0x1A090] =	vst v63  }
0x7b: {  	_ =	swait.ge [sflag:s20], $0x2800  }
0x7c: {  	[sflag:s20] =	ssyncset.done $0x0  }
0x7d: {  	[sflag:s20] =	ssyncadd.s32 $0xFFFFD800  }
0x7e: {  	[bflag:$0x0] =	sbarrier.arrive $0xFFFF  }
0x7f: {  	[tilespmem:s25], [sflag:$0x1] =	stream.indirect.gather [hbm4b:s16+s24], $0x10, s30, s24, $0xb8;
	[tilespmem:$0x1A090] =	vst v63  }
0x80: {  	_ =	swait.ge [sflag:s26], $0x800  }
0x81: {  	[sflag:s26] =	ssyncset.done $0x0  }
0x82: {  	s31 =	simm.s32 $0x80;
	[sflag:s26] =	ssyncadd.s32 $0xFFFFF800  }
0x83: {  	[tilespmem:s28], [sflag:$0x2] =	stream.indirect.gather [hbm4b:s16+s24], $0x10, s31, s24, $0xb8;
	[tilespmem:$0x1A090] =	vst v63  }
0x84: {  	s23 =	simm.s32 $0x5080  }
0x85: {  	[spmem:s3] =	stream.indirect.scatter.add.bf16 [tilespmem:s25], [sflag:$0x3], $0x10, s23, s24, $0xb8;
	[tilespmem:$0x1A090] =	vst v63  }
0x86: {  	_ =	swait.ge [sflag:s20], $0x800  }
0x87: {  	[sflag:s20] =	ssyncset.done $0x0  }
0x88: {  	[sflag:s20] =	ssyncadd.s32 $0xFFFFF800  }
0x89: {  	_ =	swait.ge [sflag:s29], $0x800  }
0x8a: {  	[sflag:s29] =	ssyncset.done $0x0  }
0x8b: {  	s30 =	simm.s32 $0x100;
	[sflag:s29] =	ssyncadd.s32 $0xFFFFF800  }
0x8c: {  	[tilespmem:s25], [sflag:$0x1] =	stream.indirect.gather [hbm4b:s16+s24], $0x10, s30, s24, $0xb8;
	[tilespmem:$0x1A090] =	vst v63  }
0x8d: {  	s31 =	simm.s32 $0x5100  }
0x8e: {  	[spmem:s3] =	stream.indirect.scatter.add.bf16 [tilespmem:s28], [sflag:$0x3], $0x10, s31, s24, $0xb8;
	[tilespmem:$0x1A090] =	vst v63  }
0x8f: {  	_ =	swait.ge [sflag:s20], $0x800  }
0x90: {  	s22 =	simm.s32 $0x400;
	[sflag:s20] =	ssyncset.done $0x0  }
.LBB2_6:
0x91: {  	p0 =	sne.s32 s22, $0x13C00  }
0x92: {  	[sflag:s20] =	ssyncadd.s32 $0xFFFFF800;
	s23 =	smov.u32 s22;
	s22 =	sadd.s32 $0x400, s22  }
0x93: {  	_ = 	snop  }
0x94: {  	_ =	swait.ge [sflag:s26], $0x800  }
0x95: {  	s23 =	sshra.s32 s23, $0x2;
	[sflag:s26] =	ssyncset.done $0x0  }
0x96: {  	s30 =	sadd.s32 $0x80, s23;
	[sflag:s26] =	ssyncadd.s32 $0xFFFFF800  }
0x97: {  	[tilespmem:s28], [sflag:$0x2] =	stream.indirect.gather [hbm4b:s16+s24], $0x10, s30, s24, $0xb8;
	[tilespmem:$0x1A090] =	vst v63  }
0x98: {  	s30 =	sadd.s32 $0x5080, s23  }
0x99: {  	[spmem:s3] =	stream.indirect.scatter.add.bf16 [tilespmem:s25], [sflag:$0x3], $0x10, s30, s24, $0xb8;
	[tilespmem:$0x1A090] =	vst v63  }
0x9a: {  	_ =	swait.ge [sflag:s20], $0x800  }
0x9b: {  	[sflag:s20] =	ssyncset.done $0x0  }
0x9c: {  	[sflag:s20] =	ssyncadd.s32 $0xFFFFF800  }
0x9d: {  	_ =	swait.ge [sflag:s29], $0x800  }
0x9e: {  	[sflag:s29] =	ssyncset.done $0x0  }
0x9f: {  	s30 =	sadd.s32 $0x100, s23;
	[sflag:s29] =	ssyncadd.s32 $0xFFFFF800  }
0xa0: {  	[tilespmem:s25], [sflag:$0x1] =	stream.indirect.gather [hbm4b:s16+s24], $0x10, s30, s24, $0xb8;
	[tilespmem:$0x1A090] =	vst v63  }
.Ltmp2:
0xa1: {  	_ = 	snop;
	(pc) =	sbr.rel @p0 .LBB2_6-.Ltmp2, $4  }
0xa2: {  	s23 =	sadd.s32 $0x5100, s23  }
0xa3: {  	[spmem:s3] =	stream.indirect.scatter.add.bf16 [tilespmem:s28], [sflag:$0x3], $0x10, s23, s24, $0xb8;
	[tilespmem:$0x1A090] =	vst v63  }
0xa4: {  	_ =	swait.ge [sflag:s20], $0x800  }
0xa5: {  	[sflag:s20] =	ssyncset.done $0x0  }
0xa6: {  	[sflag:s20] =	ssyncadd.s32 $0xFFFFF800  }
0xa7: {  	_ =	swait.ge [sflag:s26], $0x800  }
0xa8: {  	s1 =	sadd.s32 $0x1, s1;
	[sflag:s26] =	ssyncset.done $0x0  }
0xa9: {  	p0 =	sne.s32 s1, s18;
	[sflag:s26] =	ssyncadd.s32 $0xFFFFF800  }
.Ltmp3:
0xaa: {  	[bflag:$0x0] =	sbarrier.arrive $0xFFFF;
	(pc) =	sbr.rel @p0 .LBB2_1-.Ltmp3, $4  }
0xab: {  	[hbm:s17], [sflag:s7] =	dma.local [spmem:s21], $0x500  }
0xac: {  	_ =	swait.ge [sflag:s20], $0x500  }
0xad: {  	[sflag:s20] =	ssyncset.done $0x0  }
0xae: {  	[sflag:s20] =	ssyncadd.s32 $0xFFFFFB00  }
0xaf: {  	_ =	sfence.sel $0x180000  }
0xb0: {  	[bflag:$0x0] =	sbarrier.arrive $0xFFFF  }
0xb1: {  	_ =	strace $0x9000004A  }
0xb2: {  	s0 =	stileid.u32;
	[bflag:$0x2] =	sbarrier.arrive $0xFFFF  }
0xb3: {  	p0 =	sne.s32 s0, $0x0;
	s0 =	rddreg [dreg:$0x4]  }
0xb4: {  	s0 =	sadd.s32 @!p0 $0x100000, s0  }
0xb5: {  	[sflag:s0] =	ssyncadd.tile.s32 @!p0 $0x1;
	_ =	shalt  }
.Lfunc_end2:
_tile_overlayer_lowered:
.L_overlay_start_2:
0xb6: {  	(tag) =	ssettag $0x2  }
0xb7: {  	s0 =	rddreg [dreg:$0x0];
	s2 =	stileid.u32  }
0xb8: {  	s1 =	rddreg [dreg:$0x1];
	p0 =	sne.s32 s2, $0x0  }
0xb9: {  	s3 =	rddreg [dreg:$0x2];
	[bflag:$0x3] =	sbarrier.arrive $0xFFFF;
	s2 =	simm.s32 @!p0 $0x1C03  }
0xba: {  	[timem:s3], [sflag:s2] =	dma.local @!p0 [hbm:s0], s1  }
0xbb: {  	s0 =	simm.s32 @!p0 $0x3  }
0xbc: {  	_ =	swait.ge @!p0 [sflag:s0], s1  }
0xbd: {  	s1 =	ssub.s32 @!p0 $0x0, s1;
	[sflag:s0] =	ssyncset.done @!p0 $0x0  }
0xbe: {  	[sflag:s0] =	ssyncadd.s32 @!p0 s1  }
0xbf: {  	[bflag:$0x3] =	sbarrier.arrive $0xFFFF  }
0xc0: {  	_ =	shalt  }

// kernel: kernel.7.cloned.1.call-start
scs
__scs_entry_jumppad:
0x0: {  	(pc) =	sbr.rel $0x88, $3  }
0x1: {  	(tag) =	ssettag $0x0;
	lr =	simm.s32 $0x1  }
0x2: {  	[smem:$0x3F9B] =	sst lr;
	_ =	strace $0xD0000000  }
0x3: {  	_ = 	snop  }
0x4: {  	_ = 	snop  }
0x5: {  	_ = 	snop  }
0x6: {  	_ = 	snop  }
0x7: {  	_ = 	snop  }
__scs_overlays_trampoline_lowered:
0x8: {  	[smem:$0x3FAA] =	sst s0  }
0x9: {  	[smem:$0x3FAB] =	sst s1  }
0xa: {  	[smem:$0x3FAC] =	sst s2  }
0xb: {  	[smem:$0x3FAD] =	sst s3  }
0xc: {  	[smem:$0x3FAE] =	sst s4  }
0xd: {  	[smem:$0x3FAF] =	sst s5  }
0xe: {  	[smem:$0x3FB0] =	sst s6  }
0xf: {  	[smem:$0x3FB1] =	sst s7  }
0x10: {  	[smem:$0x3FB2] =	sst s8  }
0x11: {  	[smem:$0x3FB3] =	sst s9;
	s0 =	simm.s32 @!p0 $0x0  }
0x12: {  	s1 =	sld [smem:$0x3F99];
	s0 =	simm.s32 @p0 $0x1  }
0x13: {  	[smem:$0x3FB4] =	sst s0;
	s0 =	simm.s32 @!p1 $0x0  }
0x14: {  	s2 =	sld [smem:$0x3F98];
	s0 =	simm.s32 @p1 $0x1  }
0x15: {  	[smem:$0x3FB5] =	sst s0;
	s0 =	simm.s32 @!p2 $0x0  }
0x16: {  	s3 =	sld [smem:$0x3FDB];
	s0 =	simm.s32 @p2 $0x1  }
0x17: {  	s4 =	simm.s32 $0x1BF5;
	[smem:$0x3FB7] =	sst s0  }
0x18: {  	s0 =	sld [smem:$0x3F9A];
	_ =	swait.ge [sflag:s4], $0x0  }
0x19: {  	s7 =	sld [smem:$0x3F9B]  }
0x1a: {  	s8 =	sadd.s32 $0xFFFFE003, lr  }
0x1b: {  	s9 =	sadd.s32 $0xFFFFFEF7, lr;
	s5 =	simm.s32 $0xFFFFFFFF;
	p2 =	slt.u32 s8, $0xFFFFF086  }
0x1c: {  	p1 =	slt.u32 s9, $0xF7A;
	s5 =	simm.s32 @!p2 $0x0  }
0x1d: {  	s5 =	simm.s32 @p1 $0x1;
	p0 =	seq.s32 s7, s2  }
0x1e: {  	s7 =	smul.u32 @!p0 $0xF7A, s2;
	p2 =	seq.s32 @!p0 s5, $0x0  }
0x1f: {  	s9 =	smul.u32 $0xF7A, s1;
	s8 =	simm.s32 @!p0 $0x1BF5;
	p2 =	por !p2, p0  }
0x20: {  	[sflag:s8] =	ssyncset.s32 @!p0 $0xFFFFF086;
	s6 =	sadd.s32 @!p0 s3, s7;
	s7 =	simm.s32 @!p0 $0x108  }
0x21: {  	s3 =	sadd.s32 s3, s9;
	s6 =	sadd.s32 @!p0 $0x88, s6;
	s7 =	simm.s32 @p2 $0x1082  }
0x22: {  	[simem:s7], [sflag:s8] =	dma.local @!p0 [hbm:s6], $0xF7A  }
0x23: {  	s9 =	sor.u32 $0xD0000000, s2;
	s6 =	simm.s32 $0x108;
	_ =	swait.ge @!p0 [sflag:s8], $0x0  }
0x24: {  	s3 =	sadd.s32 $0x88, s3;
	s6 =	simm.s32 @!p1 $0x1082;
	[sflag:s4] =	ssyncset.s32 $0xFFFFF086  }
0x25: {  	[simem:s6], [sflag:s4] =	dma.local [hbm:s3], $0xF7A  }
0x26: {  	[smem:$0x3F9B] =	sst s1;
	(tag) =	ssettag s2;
	_ =	strace s9  }
0x27: {  	s1 =	sld [smem:$0x3FAB]  }
0x28: {  	s2 =	sld [smem:$0x3FAC]  }
0x29: {  	s4 =	sld [smem:$0x3FAE]  }
0x2a: {  	p0 =	seq.s32 s5, $0x0;
	s5 =	sld [smem:$0x3FAF]  }
0x2b: {  	s6 =	sld [smem:$0x3FB0]  }
0x2c: {  	s7 =	sld [smem:$0x3FB1]  }
0x2d: {  	s3 =	simm.s32 $0x108;
	s8 =	sld [smem:$0x3FB2]  }
0x2e: {  	s3 =	simm.s32 @!p0 $0x1082;
	s9 =	sld [smem:$0x3FB3]  }
0x2f: {  	lr =	sadd.s32 s0, s3;
	s0 =	sld [smem:$0x3FAA]  }
0x30: {  	s3 =	sld [smem:$0x3FAD]  }
0x31: {  	[smem:$0x3FB6] =	sst s10  }
0x32: {  	s10 =	sld [smem:$0x3FB4];
	_ =	sdelay $0x3  }
0x33: {  	p0 =	seq.s32 s10, $0x1;
	s10 =	sld [smem:$0x3FB6];
	_ =	sdelay $0x3  }
0x34: {  	[smem:$0x3FB6] =	sst s10  }
0x35: {  	s10 =	sld [smem:$0x3FB5];
	_ =	sdelay $0x3  }
0x36: {  	p1 =	seq.s32 s10, $0x1;
	s10 =	sld [smem:$0x3FB6];
	_ =	sdelay $0x3  }
0x37: {  	[smem:$0x3FB6] =	sst s10  }
0x38: {  	s10 =	sld [smem:$0x3FB7]  }
0x39: {  	_ = 	snop;
	(pc) =	sbr.ind lr, $3  }
0x3a: {  	_ = 	snop  }
0x3b: {  	_ = 	snop  }
0x3c: {  	p2 =	seq.s32 s10, $0x1;
	s10 =	sld [smem:$0x3FB6]  }
0x3d: {  	_ =	shalt  }
0x3e: {  	_ =	shalt  }
0x3f: {  	_ =	shalt  }
0x40: {  	_ =	shalt  }
0x41: {  	_ =	shalt  }
0x42: {  	_ =	shalt  }
0x43: {  	_ =	shalt  }
0x44: {  	_ =	shalt  }
0x45: {  	_ =	shalt  }
0x46: {  	_ =	shalt  }
0x47: {  	_ =	shalt  }
0x48: {  	_ =	shalt  }
0x49: {  	_ =	shalt  }
0x4a: {  	_ =	shalt  }
0x4b: {  	_ =	shalt  }
0x4c: {  	_ =	shalt  }
0x4d: {  	_ =	shalt  }
0x4e: {  	_ =	shalt  }
0x4f: {  	_ =	shalt  }
0x50: {  	_ =	shalt  }
0x51: {  	_ =	shalt  }
0x52: {  	_ =	shalt  }
0x53: {  	_ =	shalt  }
0x54: {  	_ =	shalt  }
0x55: {  	_ =	shalt  }
0x56: {  	_ =	shalt  }
0x57: {  	_ =	shalt  }
0x58: {  	_ =	shalt  }
0x59: {  	_ =	shalt  }
0x5a: {  	_ =	shalt  }
0x5b: {  	_ =	shalt  }
0x5c: {  	_ =	shalt  }
0x5d: {  	_ =	shalt  }
0x5e: {  	_ =	shalt  }
0x5f: {  	_ =	shalt  }
0x60: {  	_ =	shalt  }
0x61: {  	_ =	shalt  }
0x62: {  	_ =	shalt  }
0x63: {  	_ =	shalt  }
0x64: {  	_ =	shalt  }
0x65: {  	_ =	shalt  }
0x66: {  	_ =	shalt  }
0x67: {  	_ =	shalt  }
0x68: {  	_ =	shalt  }
0x69: {  	_ =	shalt  }
0x6a: {  	_ =	shalt  }
0x6b: {  	_ =	shalt  }
0x6c: {  	_ =	shalt  }
0x6d: {  	_ =	shalt  }
0x6e: {  	_ =	shalt  }
0x6f: {  	_ =	shalt  }
0x70: {  	_ =	shalt  }
0x71: {  	_ =	shalt  }
0x72: {  	_ =	shalt  }
0x73: {  	_ =	shalt  }
0x74: {  	_ =	shalt  }
0x75: {  	_ =	shalt  }
0x76: {  	_ =	shalt  }
0x77: {  	_ =	shalt  }
0x78: {  	_ =	shalt  }
0x79: {  	_ =	shalt  }
0x7a: {  	_ =	shalt  }
0x7b: {  	_ =	shalt  }
0x7c: {  	_ =	shalt  }
0x7d: {  	_ =	shalt  }
0x7e: {  	_ =	shalt  }
0x7f: {  	_ =	shalt  }
0x80: {  	_ =	shalt  }
0x81: {  	_ =	shalt  }
0x82: {  	_ =	shalt  }
0x83: {  	_ =	shalt  }
0x84: {  	_ =	shalt  }
0x85: {  	_ =	shalt  }
0x86: {  	_ =	shalt  }
0x87: {  	_ =	shalt  }
.Lfunc_end0:
.L_simem_size_0:
called_computation_lowered:
.L_overlay_start_0:
0x88: {  	s2 =	sld [smem:$0x3FD9]  }
0x89: {  	s3 =	sld [smem:$0x3FFE];
	_ =	sdelay $0x1  }
0x8a: {  	s1 =	srdreg.scid  }
0x8b: {  	s0 =	sand.u32 $0x1, s1  }
0x8c: {  	s16 =	sshll.u32 s0, $0xA;
	s2 =	sadd.s32 s3, s2  }
0x8d: {  	s2 =	sadd.s32 s2, s16  }
0x8e: {  	[smem:$0x3FC2] =	sst s2  }
0x8f: {  	_ = 	snop  }
0x90: {  	(tm) =	ssettm $0x1  }
0x91: {  	s17 =	sld [smem:$0x3FFB];
	_ =	sdelay $0x3  }
0x92: {  	_ =	strace s17  }
0x93: {  	s2 =	sld [smem:$0x3FFC];
	_ =	sdelay $0x3  }
0x94: {  	_ =	strace s2  }
0x95: {  	s2 =	sld [smem:$0x3FFD];
	_ =	sdelay $0x3  }
0x96: {  	_ =	strace s2  }
0x97: {  	_ =	strace $0x8FFFFFFF  }
0x98: {  	s18 =	sld [smem:$0x3FDB];
	_ =	sdelay $0x1  }
0x99: {  	s19 =	simm.s32 $_scs_section_size  }
0x9a: {  	s4 =	simm.s32 $_size__tile_overlayer_lowered;
	s5 =	simm.s32 $_tile_overlayer_lowered  }
0x9b: {  	s22 =	simm.s32 $0x1BFF;
	s21 =	sshll.u32 s5, $0x1;
	s2 =	sadd.s32 s19, s18  }
0x9c: {  	s6 =	simm.s32 $0x0;
	s20 =	sshll.u32 s4, $0x1;
	s4 =	sadd.s32 s21, s2  }
0x9d: {  	[timem:s6], [sflag:s22] =	dma.local [hbm:s4], s20  }
0x9e: {  	_ =	swait.ge [sflag:s22], s20  }
0x9f: {  	s3 =	ssub.s32 $0x0, s20;
	[sflag:s22] =	ssyncset.done $0x0  }
0xa0: {  	[sflag:s22] =	ssyncadd.s32 s3;
	_ =	sdelay $0x1  }
0xa1: {  	s23 =	simm.s32 $0x1B8B  }
0xa2: {  	_ =	swait.ge [sflag:s23], $0x1  }
0xa3: {  	[sflag:s23] =	ssyncset.done $0x0  }
0xa4: {  	s25 =	simm.s32 $0x1B8E;
	s24 =	sld [smem:$0x3FFE];
	[sflag:s23] =	ssyncadd.s32 $0xFFFFFFFF  }
0xa5: {  	s26 =	simm.s32 $execute0_lowered;
	[smem:$0x3FD2] =	sst s25  }
0xa6: {  	s4 =	sshll.u32 s26, $0x1;
	_ =	strace $0x80000046;
	[dreg:$0x1] =	wrdreg $0xFFFFFFFF  }
0xa7: {  	s28 =	simm.s32 $_size_execute0_lowered;
	s2 =	sadd.s32 s2, s4;
	[dreg:$0x0] =	wrdreg $0x0  }
0xa8: {  	s4 =	sshll.u32 s28, $0x1;
	[dreg:$0x2] =	wrdreg s2  }
0xa9: {  	[dreg:$0x3] =	wrdreg s4  }
0xaa: {  	[dreg:$0x4] =	wrdreg $0xC0  }
0xab: {  	_ =	task [dreg:s6], $0x5FFFF  }
0xac: {  	[dreg:$0x1] =	wrdreg $0xFFFFFFFF  }
0xad: {  	[dreg:$0x0] =	wrdreg $0x60  }
0xae: {  	[dreg:$0x2] =	wrdreg s24  }
0xaf: {  	[dreg:$0x3] =	wrdreg $0x28800  }
0xb0: {  	[dreg:$0x4] =	wrdreg $0x9  }
0xb1: {  	_ =	task.clear_ibuf [dreg:s6], $0x5FFFF;
	_ =	strace $0x90000046  }
0xb2: {  	s29 =	simm.s32 $0x9;
	_ =	strace $0x80000048  }
0xb3: {  	_ =	swait.ge [sflag:s29], $0x1  }
0xb4: {  	[sflag:s29] =	ssyncadd.s32 $0xFFFFFFFF  }
0xb5: {  	_ =	strace $0x90000048  }
0xb6: {  	_ =	sfence  }
0xb7: {  	s30 =	sld [smem:$0x0];
	_ =	sdelay $0x2  }
0xb8: {  	s31 =	sshll.u32 s1, $0xD;
	s1 =	sshrl.u32 s1, $0x2  }
0xb9: {  	s3 =	sand.u32 $0x4000, s31;
	s1 =	sadd.s32 s1, s30  }
0xba: {  	s0 =	sor.u32 s3, s0;
	s1 =	sshll.u32 s1, $0x11  }
0xbb: {  	s0 =	sor.u32 s1, s0  }
0xbc: {  	s0 =	sadd.s32 $0x8F2B, s0  }
0xbd: {  	[sflag:s0] =	ssyncadd.remote.s32 $0x1  }
0xbe: {  	_ =	sfence.sel $0xFFFF  }
0xbf: {  	[dreg:$0x0] =	wrdreg $0xFFFFFFFF;
	(pc) =	sbr.abs _section_cstart, $3  }
0xc0: {  	[dreg:$0x1] =	wrdreg $0xFFFFFFFF  }
0xc1: {  	_ =	task.clear_ibuf [dreg:s6], $0x2FFFF;
	_ =	strace $0x9FFFFFFF  }
0xc2: {  	(tm) =	ssettm $0x7FFFFFFF  }
0xc3: {  	_ =	shalt  }
tec
execute0_lowered:
.L_overlay_start_1:
0x0: {  	(tag) =	ssettag $0x1  }
0x1: {  	s1 =	srdreg.scid;
	s5 =	rddreg [dreg:$0x0]  }
0x2: {  	s0 =	stileid.u32;
	s2 =	rddreg [dreg:$0x1];
	s3 =	simm.s32 $0x0  }
0x3: {  	s12 =	simm.s32 $0x2800;
	s13 =	simm.s32 $0x0;
	s4 =	sand.u32 $0x1, s1  }
0x4: {  	s30 =	sshll.u32 s0, $0x1;
	s7 =	smul.u32 $0x280, s0;
	[smem:$0x7FF] =	sst s3  }
0x5: {  	s31 =	sshll.u32 s0, $0x6;
	s1 =	sor.u32 s4, s30;
	s8 =	smul.u32 $0x2800, s4  }
0x6: {  	s4 =	ssub.s32 $0x2, s4;
	s6 =	smul.u32 $0x500, s1;
	s1 =	rddreg [dreg:$0x2]  }
0x7: {  	_ =	strace $0x80000047;
	s9 =	sshrl.u32 s7, $0x3;
	s10 =	sshrl.u32 s4, $0x1  }
0x8: {  	s11 =	sadd.s32 s7, s2;
	s8 =	sadd.s32 s7, s8;
	s9 =	sadd.s32 s9, s5  }
0x9: {  	s10 =	ssub.s32 s4, s10;
	s6 =	sadd.s32 s6, s5;
	s8 =	sshrl.u32 s8, $0x3  }
0xa: {  	s4 =	sadd.s32 $0xB200, s9;
	s9 =	sshrl.u32 s11, $0x3;
	s11 =	simm.s32 $0x80  }
0xb: {  	s8 =	sadd.s32 s8, s5;
	s5 =	sor.u32 $0x1C01, s31;
	s6 =	sadd.s32 $0x1200, s6  }
0xc: {  	v0 =	vimm.f32 $1.000000000e+00;
	s7 =	sadd.s32 $0xB800, s8;
	s8 =	smax.u32 s10, $0x1;
	s10 =	simm.s32 $0x1  }
.LBB2_1:
0xd: {  	[spmem:s9], [sflag:s5] =	dma.local [hbm:s4], $0x50  }
0xe: {  	_ =	swait.ge [sflag:s10], $0x50  }
0xf: {  	[sflag:s10] =	ssyncset.done $0x0  }
0x10: {  	[sflag:s10] =	ssyncadd.s32 $0xFFFFFFB0  }
0x11: {  	[tilespmem:s3], [sflag:$0x1] =	stream.linear.gather [hbm4b:s6+s3], $0x2800, $0x38;
	[tilespmem:$0x2B00] =	vst v63  }
0x12: {  	_ =	swait.ge [sflag:s10], $0x2800  }
0x13: {  	[sflag:s10] =	ssyncset.done $0x0  }
0x14: {  	[sflag:s10] =	ssyncadd.s32 $0xFFFFD800  }
0x15: {  	[tilespmem:$0x2800] =	vst v0  }
0x16: {  	[tilespmem:$0x2810] =	vst v0  }
0x17: {  	[tilespmem:$0x2820] =	vst v0  }
0x18: {  	[tilespmem:$0x2830] =	vst v0  }
0x19: {  	[tilespmem:$0x2840] =	vst v0  }
0x1a: {  	[tilespmem:$0x2850] =	vst v0  }
0x1b: {  	[tilespmem:$0x2860] =	vst v0  }
0x1c: {  	[tilespmem:$0x2870] =	vst v0  }
0x1d: {  	s14 =	simm.s32 $0x0;
	[bflag:$0x0] =	sbarrier.arrive $0xFFFF  }
0x1e: {  	[spmem:s2] =	stream.indirect.scatter.add.f32 [tilespmem:s12], [sflag:$0x1], $0x1, s14, s11, $0xb8;
	[tilespmem:$0x2B00] =	vst v63  }
0x1f: {  	_ =	swait.ge [sflag:s10], $0x80  }
0x20: {  	s14 =	simm.s32 $0x200;
	[sflag:s10] =	ssyncset.done $0x0  }
.LBB2_2:
0x21: {  	s15 =	sshra.s32 s14, $0x2;
	[sflag:s10] =	ssyncadd.s32 $0xFFFFFF80;
	p0 =	sne.s32 s14, $0x9E00  }
0x22: {  	[spmem:s2] =	stream.indirect.scatter.add.f32 [tilespmem:s12], [sflag:$0x1], $0x1, s15, s11, $0xb8;
	[tilespmem:$0x2B00] =	vst v63  }
.Ltmp0:
0x23: {  	_ = 	snop;
	(pc) =	sbr.rel @p0 .LBB2_2-.Ltmp0, $4  }
0x24: {  	_ = 	snop  }
0x25: {  	s14 =	sadd.s32 $0x200, s14  }
0x26: {  	_ =	swait.ge [sflag:s10], $0x80  }
0x27: {  	[sflag:s10] =	ssyncset.done $0x0  }
0x28: {  	s13 =	sadd.s32 $0x1, s13  }
0x29: {  	[sflag:s10] =	ssyncadd.s32 $0xFFFFFF80;
	p0 =	sne.s32 s13, s8  }
.Ltmp1:
0x2a: {  	[bflag:$0x0] =	sbarrier.arrive $0xFFFF;
	(pc) =	sbr.rel @p0 .LBB2_1-.Ltmp1, $4  }
0x2b: {  	[hbm:s7], [sflag:s5] =	dma.local [spmem:s9], $0x50  }
0x2c: {  	_ =	swait.ge [sflag:s10], $0x50  }
0x2d: {  	[sflag:s10] =	ssyncset.done $0x0  }
0x2e: {  	[sflag:s10] =	ssyncadd.s32 $0xFFFFFFB0  }
0x2f: {  	_ =	sfence.sel $0x180000  }
0x30: {  	[bflag:$0x0] =	sbarrier.arrive $0xFFFF  }
0x31: {  	p0 =	sne.s32 s0, $0x0;
	_ =	strace $0x90000047  }
0x32: {  	s0 =	sadd.s32 @!p0 $0x100000, s1;
	[bflag:$0x2] =	sbarrier.arrive $0xFFFF  }
0x33: {  	[sflag:s0] =	ssyncadd.tile.s32 @!p0 $0x1;
	_ =	shalt  }
.Lfunc_end2:
_tile_overlayer_lowered:
.L_overlay_start_2:
0x34: {  	(tag) =	ssettag $0x2  }
0x35: {  	s0 =	rddreg [dreg:$0x0];
	s2 =	stileid.u32  }
0x36: {  	s1 =	rddreg [dreg:$0x1];
	p0 =	sne.s32 s2, $0x0  }
0x37: {  	s3 =	rddreg [dreg:$0x2];
	[bflag:$0x3] =	sbarrier.arrive $0xFFFF;
	s2 =	simm.s32 @!p0 $0x1C01  }
0x38: {  	[timem:s3], [sflag:s2] =	dma.local @!p0 [hbm:s0], s1  }
0x39: {  	s0 =	simm.s32 @!p0 $0x1  }
0x3a: {  	_ =	swait.ge @!p0 [sflag:s0], s1  }
0x3b: {  	s1 =	ssub.s32 @!p0 $0x0, s1;
	[sflag:s0] =	ssyncset.done @!p0 $0x0  }
0x3c: {  	[sflag:s0] =	ssyncadd.s32 @!p0 s1  }
0x3d: {  	[bflag:$0x3] =	sbarrier.arrive $0xFFFF  }
0x3e: {  	_ =	shalt  }

</sc_bundles>
